<compile_context>
chip_gen: v7x
topology: tpu7x:2x2x1
jax: 0.10.2.dev20260603
libtpu: 0.0.44.dev20260713+nightly
codegen_flags: <defaults>
</compile_context>

<pallas_src>
import functools

import jax
import jax.numpy as jnp
from jax import lax
from jax.experimental import pallas as pl
from jax.experimental.pallas import tpu as pltpu
from jax.experimental.pallas import tpu_sc as plsc

N_NODES = 10000
N_EDGES = 160000
D = 256
DH = 128
NC = 2
NS = 16
PAD_ROWS = 8
ZROW = N_NODES
CHUNK = 120
NCHUNK = 85
E_PAD = NS * NCHUNK * CHUNK
EDGES_PER_TILE = E_PAD // NS
N_PAD = 10112
ROWS_PER_TILE = N_PAD // NS
NBUF = 3
IR = 6


def _sc_agg_body(xcat_hbm, src2_hbm, dst_hbm, zeros_hbm, out_hbm,
                 srcs, dsts, rows, agg_sh,
                 gsems, ssems, isems, dsems, zsem):
    c = lax.axis_index("c")
    s = lax.axis_index("s")
    stripe = pl.ds(s * ROWS_PER_TILE, ROWS_PER_TILE)
    zcopy = pltpu.async_copy(zeros_hbm, agg_sh.at[stripe], zsem)

    def idx_start(k, q):
        pltpu.async_copy(src2_hbm.at[c, s, k], srcs.at[q], isems[q])
        pltpu.async_copy(dst_hbm.at[s, k], dsts.at[q], dsems[q])

    def gather_start(k, j, q):
        pltpu.make_async_copy(src2_hbm.at[c, s, k], srcs.at[q],
                              isems[q]).wait()
        pltpu.async_copy(xcat_hbm.at[srcs.at[q]], rows.at[j], gsems[j])

    def gather_wait(k, j):
        pltpu.make_async_copy(xcat_hbm.at[srcs.at[0]], rows.at[j],
                              gsems[j]).wait()

    def scatter_start(k, j, q):
        pltpu.make_async_copy(dst_hbm.at[s, k], dsts.at[q],
                              dsems[q]).wait()
        pltpu.async_copy(rows.at[j], agg_sh.at[dsts.at[q]], ssems[j],
                         add=True)

    def scatter_wait(j):
        pltpu.make_async_copy(rows.at[0], agg_sh.at[dsts.at[0]],
                              ssems[j]).wait()

    for q in range(IR - 1):
        idx_start(q, q)
    zcopy.wait()
    plsc.subcore_barrier()
    gather_start(0, 0, 0)
    gather_start(1, 1, 1)

    gather_wait(0, 0)
    scatter_start(0, 0, 0)
    idx_start(IR - 1, IR - 1)
    gather_start(2, 2, 2)

    def outer_body(o, carry):
        for m in range(6):
            k = 1 + o * 6 + m
            j = (1 + m) % NBUF
            jp = m % NBUF
            q = (1 + m) % IR
            qn = (3 + m) % IR
            gather_wait(k, j)
            scatter_start(k, j, q)
            scatter_wait(jp)

            @pl.when(k <= NCHUNK - 6)
            def _():
                idx_start(k + 5, m % IR)

            @pl.when(k <= NCHUNK - 3)
            def _():
                gather_start(k + 2, jp, qn)
        return carry

    lax.fori_loop(0, (NCHUNK - 1) // 6, outer_body, 0)
    scatter_wait((NCHUNK - 1) % NBUF)
    plsc.subcore_barrier()
    pltpu.sync_copy(agg_sh.at[stripe], out_hbm.at[c, stripe])


def _make_sc_agg():
    mesh = plsc.VectorSubcoreMesh(core_axis_name="c", subcore_axis_name="s")
    return functools.partial(
        pl.kernel,
        mesh=mesh,
        out_type=jax.ShapeDtypeStruct((NC, N_PAD, DH), jnp.float32),
        scratch_types=[
            pltpu.VMEM((IR, CHUNK), jnp.int32),
            pltpu.VMEM((IR, CHUNK), jnp.int32),
            pltpu.VMEM((NBUF, CHUNK, DH), jnp.float32),
            pltpu.VMEM_SHARED((N_PAD, DH), jnp.float32),
            [pltpu.SemaphoreType.DMA] * NBUF,
            [pltpu.SemaphoreType.DMA] * NBUF,
            [pltpu.SemaphoreType.DMA] * IR,
            [pltpu.SemaphoreType.DMA] * IR,
            pltpu.SemaphoreType.DMA,
        ],
    )(_sc_agg_body)


_sc_agg = _make_sc_agg()


def _tc_mlp_body(x_ref, agg_ref, w_ref, b_ref, scale_ref, o_ref):
    agg = jnp.concatenate([agg_ref[0], agg_ref[1]], axis=1)
    h = x_ref[...] * scale_ref[0] + agg
    out = jnp.dot(h, w_ref[...], preferred_element_type=jnp.float32)
    o_ref[...] = jnp.maximum(out + b_ref[...], 0.0)


BM = 1000


def _tc_mlp(x, agg2, W, b2, scale):
    return pl.pallas_call(
        _tc_mlp_body,
        grid=(N_NODES // BM,),
        in_specs=[
            pl.BlockSpec((BM, D), lambda i: (i, 0)),
            pl.BlockSpec((NC, BM, DH), lambda i: (0, i, 0)),
            pl.BlockSpec((D, D), lambda i: (0, 0)),
            pl.BlockSpec((1, D), lambda i: (0, 0)),
            pl.BlockSpec(memory_space=pltpu.SMEM),
        ],
        out_specs=pl.BlockSpec((BM, D), lambda i: (i, 0)),
        out_shape=jax.ShapeDtypeStruct((N_NODES, D), jnp.float32),
    )(x, agg2, W, b2, scale)


def kernel(x, edge_index, W, b, eps):
    src = edge_index[0]
    dst = edge_index[1]
    pad = E_PAD - N_EDGES
    src_p = jnp.concatenate([src, jnp.full((pad,), ZROW, jnp.int32)])
    dst_p = jnp.concatenate([dst, jnp.zeros((pad,), jnp.int32)])
    half_rows = N_NODES + PAD_ROWS
    src2 = jnp.stack([src_p, src_p + half_rows]).reshape(NC, NS, NCHUNK, CHUNK)
    dst_p = dst_p.reshape(NS, NCHUNK, CHUNK)
    zpad = jnp.zeros((PAD_ROWS, DH), jnp.float32)
    xcat = jnp.concatenate([x[:, :DH], zpad, x[:, DH:], zpad], axis=0)
    zeros = jnp.zeros((ROWS_PER_TILE, DH), jnp.float32)

    agg2 = _sc_agg(xcat, src2, dst_p, zeros)

    scale = jnp.reshape(1.0 + eps, (1,)).astype(jnp.float32)
    b2 = jnp.reshape(b, (1, D))
    return _tc_mlp(x, agg2, W, b2, scale)

# --- scband reference (transcript-rebuilt; emitter-appended) ---
"""Pipeline reference for scband-ginconv-53884659696295 (READ-ONLY COPY).

The authoritative reference and input builder live on the scoring server;
editing this copy changes nothing except your own understanding.
"""

import jax, jax.numpy as jnp
import numpy as np

N_NODES = 10000
N_EDGES = 160000
D_IN = 256
D_OUT = 256


def setup_inputs(seed: int = 0) -> dict:
    key = jax.random.key(seed)
    k1, k2, k3, k4 = jax.random.split(key, 4)
    x = jax.random.normal(k1, (N_NODES, D_IN), dtype=jnp.float32)
    edge_index = jax.random.randint(k2, (2, N_EDGES), 0, N_NODES, dtype=jnp.int32)
    # Linear apply_func parameters (stored as (in, out) for x @ W + b)
    limit = 1.0 / np.sqrt(D_IN)
    W = jax.random.uniform(k3, (D_IN, D_OUT), minval=-limit, maxval=limit, dtype=jnp.float32)
    b = jax.random.uniform(k4, (D_OUT,), minval=-limit, maxval=limit, dtype=jnp.float32)
    eps = jnp.float32(0.0)  # init_eps buffer (learn_eps=False)
    return {"x": x, "edge_index": edge_index, "W": W, "b": b, "eps": eps}


def reference(x, edge_index, W, b, eps):
    # GINConv with sum aggregator, dropout p=0.0 (identity), ReLU activation.
    # h_v = relu( Linear( (1 + eps) * x_v + sum_{u in N(v)} x_u ) )
    src = edge_index[0]
    dst = edge_index[1]
    messages = jnp.take(x, src, axis=0)                        # gather over source nodes
    agg = jax.ops.segment_sum(messages, dst, num_segments=x.shape[0])  # scatter-add to dst
    h = (1.0 + eps) * x + agg
    out = h @ W + b
    return jax.nn.relu(out)

if __name__ == "__main__":
    import jax
    _d = setup_inputs()
    print(jax.jit(kernel)(*tuple(_d.values())))

</pallas_src>

<mosaic_0001>
#map = affine_map<(d0, d1) -> (0, 0)>
#map1 = affine_map<(d0, d1) -> (0, 0, 0, 0)>
#map2 = affine_map<(d0, d1) -> (0, 0, 0)>
module attributes {stable_mosaic.version = 14 : i64} {
  func.func @_sc_agg_body(%arg0: i32, %arg1: i32, %arg2: memref<20016x128xf32, #tpu.memory_space<hbm>>, %arg3: memref<2x16x85x120xi32, #tpu.memory_space<hbm>>, %arg4: memref<16x85x120xi32, #tpu.memory_space<hbm>>, %arg5: memref<632x128xf32, #tpu.memory_space<hbm>>, %arg6: memref<2x10112x128xf32, #tpu.memory_space<hbm>>, %arg7: memref<6x120xi32, #tpu.memory_space<vmem>>, %arg8: memref<6x120xi32, #tpu.memory_space<vmem>>, %arg9: memref<3x120x128xf32, #tpu.memory_space<vmem>>, %arg10: memref<10112x128xf32, #tpu.memory_space<vmem_shared>>, %arg11: memref<!tpu.dma_semaphore, #tpu.memory_space<semaphore_mem>>, %arg12: memref<!tpu.dma_semaphore, #tpu.memory_space<semaphore_mem>>, %arg13: memref<!tpu.dma_semaphore, #tpu.memory_space<semaphore_mem>>, %arg14: memref<!tpu.dma_semaphore, #tpu.memory_space<semaphore_mem>>, %arg15: memref<!tpu.dma_semaphore, #tpu.memory_space<semaphore_mem>>, %arg16: memref<!tpu.dma_semaphore, #tpu.memory_space<semaphore_mem>>, %arg17: memref<!tpu.dma_semaphore, #tpu.memory_space<semaphore_mem>>, %arg18: memref<!tpu.dma_semaphore, #tpu.memory_space<semaphore_mem>>, %arg19: memref<!tpu.dma_semaphore, #tpu.memory_space<semaphore_mem>>, %arg20: memref<!tpu.dma_semaphore, #tpu.memory_space<semaphore_mem>>, %arg21: memref<!tpu.dma_semaphore, #tpu.memory_space<semaphore_mem>>, %arg22: memref<!tpu.dma_semaphore, #tpu.memory_space<semaphore_mem>>, %arg23: memref<!tpu.dma_semaphore, #tpu.memory_space<semaphore_mem>>, %arg24: memref<!tpu.dma_semaphore, #tpu.memory_space<semaphore_mem>>, %arg25: memref<!tpu.dma_semaphore, #tpu.memory_space<semaphore_mem>>, %arg26: memref<!tpu.dma_semaphore, #tpu.memory_space<semaphore_mem>>, %arg27: memref<!tpu.dma_semaphore, #tpu.memory_space<semaphore_mem>>, %arg28: memref<!tpu.dma_semaphore, #tpu.memory_space<semaphore_mem>>, %arg29: memref<!tpu.dma_semaphore, #tpu.memory_space<semaphore_mem>>) attributes {dimension_semantics = [#tpu.dimension_semantics<core_parallel>, #tpu.dimension_semantics<subcore_parallel>], iteration_bounds = array<i64: 2, 16>, scalar_prefetch = 0 : i64, scratch_operands = 23 : i64, tpu.core_type = #tpu.core_type<sc_vector_subcore>, window_params = [{transform_indices = #map}, {transform_indices = #map1}, {transform_indices = #map2}, {transform_indices = #map}, {transform_indices = #map2}]} {
    %mul3A = arith.constant 632 : i32
    %mul3A_0 = arith.muli %arg1, %mul3A : i32
    %dma_start3A = arith.constant 0 : i32
    %dma_start3A_1 = tpu.memref_slice %arg10[%mul3A_0, %dma_start3A] : memref<10112x128xf32, #tpu.memory_space<vmem_shared>> -> memref<632x128xf32, #tpu.memory_space<vmem_shared>>
    tpu.enqueue_dma source(%arg5 : memref<632x128xf32, #tpu.memory_space<hbm>>) target(%dma_start3A_1 : memref<632x128xf32, #tpu.memory_space<vmem_shared>>) target_semaphore(%arg29 : memref<!tpu.dma_semaphore, #tpu.memory_space<semaphore_mem>>)
    %dma_start3A_2 = arith.constant 0 : i32
    %dma_start3A_3 = arith.constant 0 : i32
    %dma_start3A_4 = arith.constant 0 : i32
    %dma_start3A_5 = tpu.memref_slice %arg7[%dma_start3A_3, %dma_start3A_4] : memref<6x120xi32, #tpu.memory_space<vmem>> -> memref<1x120xi32, #tpu.memory_space<vmem>>
    %dma_start3A_6 = tpu.memref_squeeze %dma_start3A_5 : memref<1x120xi32, #tpu.memory_space<vmem>> -> memref<120xi32, #tpu.memory_space<vmem>>
    %dma_start3A_7 = arith.constant 0 : i32
    %dma_start3A_8 = tpu.memref_slice %arg3[%arg0, %arg1, %dma_start3A_2, %dma_start3A_7] : memref<2x16x85x120xi32, #tpu.memory_space<hbm>> -> memref<1x1x1x120xi32, #tpu.memory_space<hbm>>
    %dma_start3A_9 = tpu.memref_squeeze %dma_start3A_8 : memref<1x1x1x120xi32, #tpu.memory_space<hbm>> -> memref<120xi32, #tpu.memory_space<hbm>>
    %dma_start3A_10 = arith.constant 0 : i32
    %dma_start3A_11 = tpu.memref_slice %arg7[%dma_start3A_3, %dma_start3A_10] : memref<6x120xi32, #tpu.memory_space<vmem>> -> memref<1x120xi32, #tpu.memory_space<vmem>>
    %dma_start3A_12 = tpu.memref_squeeze %dma_start3A_11 : memref<1x120xi32, #tpu.memory_space<vmem>> -> memref<120xi32, #tpu.memory_space<vmem>>
    %dma_start3A_13 = arith.constant 0 : i32
    %dma_start3A_14 = tpu.memref_slice %arg3[%arg0, %arg1, %dma_start3A_2, %dma_start3A_13] : memref<2x16x85x120xi32, #tpu.memory_space<hbm>> -> memref<1x1x1x120xi32, #tpu.memory_space<hbm>>
    %dma_start3A_15 = tpu.memref_squeeze %dma_start3A_14 : memref<1x1x1x120xi32, #tpu.memory_space<hbm>> -> memref<120xi32, #tpu.memory_space<hbm>>
    tpu.enqueue_dma source(%dma_start3A_15 : memref<120xi32, #tpu.memory_space<hbm>>) target(%dma_start3A_12 : memref<120xi32, #tpu.memory_space<vmem>>) target_semaphore(%arg17 : memref<!tpu.dma_semaphore, #tpu.memory_space<semaphore_mem>>)
    %dma_start3A_16 = arith.constant 0 : i32
    %dma_start3A_17 = arith.constant 0 : i32
    %dma_start3A_18 = arith.constant 0 : i32
    %dma_start3A_19 = tpu.memref_slice %arg8[%dma_start3A_17, %dma_start3A_18] : memref<6x120xi32, #tpu.memory_space<vmem>> -> memref<1x120xi32, #tpu.memory_space<vmem>>
    %dma_start3A_20 = tpu.memref_squeeze %dma_start3A_19 : memref<1x120xi32, #tpu.memory_space<vmem>> -> memref<120xi32, #tpu.memory_space<vmem>>
    %dma_start3A_21 = arith.constant 0 : i32
    %dma_start3A_22 = tpu.memref_slice %arg4[%arg1, %dma_start3A_16, %dma_start3A_21] : memref<16x85x120xi32, #tpu.memory_space<hbm>> -> memref<1x1x120xi32, #tpu.memory_space<hbm>>
    %dma_start3A_23 = tpu.memref_squeeze %dma_start3A_22 : memref<1x1x120xi32, #tpu.memory_space<hbm>> -> memref<120xi32, #tpu.memory_space<hbm>>
    %dma_start3A_24 = arith.constant 0 : i32
    %dma_start3A_25 = tpu.memref_slice %arg8[%dma_start3A_17, %dma_start3A_24] : memref<6x120xi32, #tpu.memory_space<vmem>> -> memref<1x120xi32, #tpu.memory_space<vmem>>
    %dma_start3A_26 = tpu.memref_squeeze %dma_start3A_25 : memref<1x120xi32, #tpu.memory_space<vmem>> -> memref<120xi32, #tpu.memory_space<vmem>>
    %dma_start3A_27 = arith.constant 0 : i32
    %dma_start3A_28 = tpu.memref_slice %arg4[%arg1, %dma_start3A_16, %dma_start3A_27] : memref<16x85x120xi32, #tpu.memory_space<hbm>> -> memref<1x1x120xi32, #tpu.memory_space<hbm>>
    %dma_start3A_29 = tpu.memref_squeeze %dma_start3A_28 : memref<1x1x120xi32, #tpu.memory_space<hbm>> -> memref<120xi32, #tpu.memory_space<hbm>>
    tpu.enqueue_dma source(%dma_start3A_29 : memref<120xi32, #tpu.memory_space<hbm>>) target(%dma_start3A_26 : memref<120xi32, #tpu.memory_space<vmem>>) target_semaphore(%arg23 : memref<!tpu.dma_semaphore, #tpu.memory_space<semaphore_mem>>)
    %dma_start3A_30 = arith.constant 1 : i32
    %dma_start3A_31 = arith.constant 1 : i32
    %dma_start3A_32 = arith.constant 0 : i32
    %dma_start3A_33 = tpu.memref_slice %arg7[%dma_start3A_31, %dma_start3A_32] : memref<6x120xi32, #tpu.memory_space<vmem>> -> memref<1x120xi32, #tpu.memory_space<vmem>>
    %dma_start3A_34 = tpu.memref_squeeze %dma_start3A_33 : memref<1x120xi32, #tpu.memory_space<vmem>> -> memref<120xi32, #tpu.memory_space<vmem>>
    %dma_start3A_35 = arith.constant 0 : i32
    %dma_start3A_36 = tpu.memref_slice %arg3[%arg0, %arg1, %dma_start3A_30, %dma_start3A_35] : memref<2x16x85x120xi32, #tpu.memory_space<hbm>> -> memref<1x1x1x120xi32, #tpu.memory_space<hbm>>
    %dma_start3A_37 = tpu.memref_squeeze %dma_start3A_36 : memref<1x1x1x120xi32, #tpu.memory_space<hbm>> -> memref<120xi32, #tpu.memory_space<hbm>>
    %dma_start3A_38 = arith.constant 0 : i32
    %dma_start3A_39 = tpu.memref_slice %arg7[%dma_start3A_31, %dma_start3A_38] : memref<6x120xi32, #tpu.memory_space<vmem>> -> memref<1x120xi32, #tpu.memory_space<vmem>>
    %dma_start3A_40 = tpu.memref_squeeze %dma_start3A_39 : memref<1x120xi32, #tpu.memory_space<vmem>> -> memref<120xi32, #tpu.memory_space<vmem>>
    %dma_start3A_41 = arith.constant 0 : i32
    %dma_start3A_42 = tpu.memref_slice %arg3[%arg0, %arg1, %dma_start3A_30, %dma_start3A_41] : memref<2x16x85x120xi32, #tpu.memory_space<hbm>> -> memref<1x1x1x120xi32, #tpu.memory_space<hbm>>
    %dma_start3A_43 = tpu.memref_squeeze %dma_start3A_42 : memref<1x1x1x120xi32, #tpu.memory_space<hbm>> -> memref<120xi32, #tpu.memory_space<hbm>>
    tpu.enqueue_dma source(%dma_start3A_43 : memref<120xi32, #tpu.memory_space<hbm>>) target(%dma_start3A_40 : memref<120xi32, #tpu.memory_space<vmem>>) target_semaphore(%arg18 : memref<!tpu.dma_semaphore, #tpu.memory_space<semaphore_mem>>)
    %dma_start3A_44 = arith.constant 1 : i32
    %dma_start3A_45 = arith.constant 1 : i32
    %dma_start3A_46 = arith.constant 0 : i32
    %dma_start3A_47 = tpu.memref_slice %arg8[%dma_start3A_45, %dma_start3A_46] : memref<6x120xi32, #tpu.memory_space<vmem>> -> memref<1x120xi32, #tpu.memory_space<vmem>>
    %dma_start3A_48 = tpu.memref_squeeze %dma_start3A_47 : memref<1x120xi32, #tpu.memory_space<vmem>> -> memref<120xi32, #tpu.memory_space<vmem>>
    %dma_start3A_49 = arith.constant 0 : i32
    %dma_start3A_50 = tpu.memref_slice %arg4[%arg1, %dma_start3A_44, %dma_start3A_49] : memref<16x85x120xi32, #tpu.memory_space<hbm>> -> memref<1x1x120xi32, #tpu.memory_space<hbm>>
    %dma_start3A_51 = tpu.memref_squeeze %dma_start3A_50 : memref<1x1x120xi32, #tpu.memory_space<hbm>> -> memref<120xi32, #tpu.memory_space<hbm>>
    %dma_start3A_52 = arith.constant 0 : i32
    %dma_start3A_53 = tpu.memref_slice %arg8[%dma_start3A_45, %dma_start3A_52] : memref<6x120xi32, #tpu.memory_space<vmem>> -> memref<1x120xi32, #tpu.memory_space<vmem>>
    %dma_start3A_54 = tpu.memref_squeeze %dma_start3A_53 : memref<1x120xi32, #tpu.memory_space<vmem>> -> memref<120xi32, #tpu.memory_space<vmem>>
    %dma_start3A_55 = arith.constant 0 : i32
    %dma_start3A_56 = tpu.memref_slice %arg4[%arg1, %dma_start3A_44, %dma_start3A_55] : memref<16x85x120xi32, #tpu.memory_space<hbm>> -> memref<1x1x120xi32, #tpu.memory_space<hbm>>
    %dma_start3A_57 = tpu.memref_squeeze %dma_start3A_56 : memref<1x1x120xi32, #tpu.memory_space<hbm>> -> memref<120xi32, #tpu.memory_space<hbm>>
    tpu.enqueue_dma source(%dma_start3A_57 : memref<120xi32, #tpu.memory_space<hbm>>) target(%dma_start3A_54 : memref<120xi32, #tpu.memory_space<vmem>>) target_semaphore(%arg24 : memref<!tpu.dma_semaphore, #tpu.memory_space<semaphore_mem>>)
    %dma_start3A_58 = arith.constant 2 : i32
    %dma_start3A_59 = arith.constant 2 : i32
    %dma_start3A_60 = arith.constant 0 : i32
    %dma_start3A_61 = tpu.memref_slice %arg7[%dma_start3A_59, %dma_start3A_60] : memref<6x120xi32, #tpu.memory_space<vmem>> -> memref<1x120xi32, #tpu.memory_space<vmem>>
    %dma_start3A_62 = tpu.memref_squeeze %dma_start3A_61 : memref<1x120xi32, #tpu.memory_space<vmem>> -> memref<120xi32, #tpu.memory_space<vmem>>
    %dma_start3A_63 = arith.constant 0 : i32
    %dma_start3A_64 = tpu.memref_slice %arg3[%arg0, %arg1, %dma_start3A_58, %dma_start3A_63] : memref<2x16x85x120xi32, #tpu.memory_space<hbm>> -> memref<1x1x1x120xi32, #tpu.memory_space<hbm>>
    %dma_start3A_65 = tpu.memref_squeeze %dma_start3A_64 : memref<1x1x1x120xi32, #tpu.memory_space<hbm>> -> memref<120xi32, #tpu.memory_space<hbm>>
    %dma_start3A_66 = arith.constant 0 : i32
    %dma_start3A_67 = tpu.memref_slice %arg7[%dma_start3A_59, %dma_start3A_66] : memref<6x120xi32, #tpu.memory_space<vmem>> -> memref<1x120xi32, #tpu.memory_space<vmem>>
    %dma_start3A_68 = tpu.memref_squeeze %dma_start3A_67 : memref<1x120xi32, #tpu.memory_space<vmem>> -> memref<120xi32, #tpu.memory_space<vmem>>
    %dma_start3A_69 = arith.constant 0 : i32
    %dma_start3A_70 = tpu.memref_slice %arg3[%arg0, %arg1, %dma_start3A_58, %dma_start3A_69] : memref<2x16x85x120xi32, #tpu.memory_space<hbm>> -> memref<1x1x1x120xi32, #tpu.memory_space<hbm>>
    %dma_start3A_71 = tpu.memref_squeeze %dma_start3A_70 : memref<1x1x1x120xi32, #tpu.memory_space<hbm>> -> memref<120xi32, #tpu.memory_space<hbm>>
    tpu.enqueue_dma source(%dma_start3A_71 : memref<120xi32, #tpu.memory_space<hbm>>) target(%dma_start3A_68 : memref<120xi32, #tpu.memory_space<vmem>>) target_semaphore(%arg19 : memref<!tpu.dma_semaphore, #tpu.memory_space<semaphore_mem>>)
    %dma_start3A_72 = arith.constant 2 : i32
    %dma_start3A_73 = arith.constant 2 : i32
    %dma_start3A_74 = arith.constant 0 : i32
    %dma_start3A_75 = tpu.memref_slice %arg8[%dma_start3A_73, %dma_start3A_74] : memref<6x120xi32, #tpu.memory_space<vmem>> -> memref<1x120xi32, #tpu.memory_space<vmem>>
    %dma_start3A_76 = tpu.memref_squeeze %dma_start3A_75 : memref<1x120xi32, #tpu.memory_space<vmem>> -> memref<120xi32, #tpu.memory_space<vmem>>
    %dma_start3A_77 = arith.constant 0 : i32
    %dma_start3A_78 = tpu.memref_slice %arg4[%arg1, %dma_start3A_72, %dma_start3A_77] : memref<16x85x120xi32, #tpu.memory_space<hbm>> -> memref<1x1x120xi32, #tpu.memory_space<hbm>>
    %dma_start3A_79 = tpu.memref_squeeze %dma_start3A_78 : memref<1x1x120xi32, #tpu.memory_space<hbm>> -> memref<120xi32, #tpu.memory_space<hbm>>
    %dma_start3A_80 = arith.constant 0 : i32
    %dma_start3A_81 = tpu.memref_slice %arg8[%dma_start3A_73, %dma_start3A_80] : memref<6x120xi32, #tpu.memory_space<vmem>> -> memref<1x120xi32, #tpu.memory_space<vmem>>
    %dma_start3A_82 = tpu.memref_squeeze %dma_start3A_81 : memref<1x120xi32, #tpu.memory_space<vmem>> -> memref<120xi32, #tpu.memory_space<vmem>>
    %dma_start3A_83 = arith.constant 0 : i32
    %dma_start3A_84 = tpu.memref_slice %arg4[%arg1, %dma_start3A_72, %dma_start3A_83] : memref<16x85x120xi32, #tpu.memory_space<hbm>> -> memref<1x1x120xi32, #tpu.memory_space<hbm>>
    %dma_start3A_85 = tpu.memref_squeeze %dma_start3A_84 : memref<1x1x120xi32, #tpu.memory_space<hbm>> -> memref<120xi32, #tpu.memory_space<hbm>>
    tpu.enqueue_dma source(%dma_start3A_85 : memref<120xi32, #tpu.memory_space<hbm>>) target(%dma_start3A_82 : memref<120xi32, #tpu.memory_space<vmem>>) target_semaphore(%arg25 : memref<!tpu.dma_semaphore, #tpu.memory_space<semaphore_mem>>)
    %dma_start3A_86 = arith.constant 3 : i32
    %dma_start3A_87 = arith.constant 3 : i32
    %dma_start3A_88 = arith.constant 0 : i32
    %dma_start3A_89 = tpu.memref_slice %arg7[%dma_start3A_87, %dma_start3A_88] : memref<6x120xi32, #tpu.memory_space<vmem>> -> memref<1x120xi32, #tpu.memory_space<vmem>>
    %dma_start3A_90 = tpu.memref_squeeze %dma_start3A_89 : memref<1x120xi32, #tpu.memory_space<vmem>> -> memref<120xi32, #tpu.memory_space<vmem>>
    %dma_start3A_91 = arith.constant 0 : i32
    %dma_start3A_92 = tpu.memref_slice %arg3[%arg0, %arg1, %dma_start3A_86, %dma_start3A_91] : memref<2x16x85x120xi32, #tpu.memory_space<hbm>> -> memref<1x1x1x120xi32, #tpu.memory_space<hbm>>
    %dma_start3A_93 = tpu.memref_squeeze %dma_start3A_92 : memref<1x1x1x120xi32, #tpu.memory_space<hbm>> -> memref<120xi32, #tpu.memory_space<hbm>>
    %dma_start3A_94 = arith.constant 0 : i32
    %dma_start3A_95 = tpu.memref_slice %arg7[%dma_start3A_87, %dma_start3A_94] : memref<6x120xi32, #tpu.memory_space<vmem>> -> memref<1x120xi32, #tpu.memory_space<vmem>>
    %dma_start3A_96 = tpu.memref_squeeze %dma_start3A_95 : memref<1x120xi32, #tpu.memory_space<vmem>> -> memref<120xi32, #tpu.memory_space<vmem>>
    %dma_start3A_97 = arith.constant 0 : i32
    %dma_start3A_98 = tpu.memref_slice %arg3[%arg0, %arg1, %dma_start3A_86, %dma_start3A_97] : memref<2x16x85x120xi32, #tpu.memory_space<hbm>> -> memref<1x1x1x120xi32, #tpu.memory_space<hbm>>
    %dma_start3A_99 = tpu.memref_squeeze %dma_start3A_98 : memref<1x1x1x120xi32, #tpu.memory_space<hbm>> -> memref<120xi32, #tpu.memory_space<hbm>>
    tpu.enqueue_dma source(%dma_start3A_99 : memref<120xi32, #tpu.memory_space<hbm>>) target(%dma_start3A_96 : memref<120xi32, #tpu.memory_space<vmem>>) target_semaphore(%arg20 : memref<!tpu.dma_semaphore, #tpu.memory_space<semaphore_mem>>)
    %dma_start3A_100 = arith.constant 3 : i32
    %dma_start3A_101 = arith.constant 3 : i32
    %dma_start3A_102 = arith.constant 0 : i32
    %dma_start3A_103 = tpu.memref_slice %arg8[%dma_start3A_101, %dma_start3A_102] : memref<6x120xi32, #tpu.memory_space<vmem>> -> memref<1x120xi32, #tpu.memory_space<vmem>>
    %dma_start3A_104 = tpu.memref_squeeze %dma_start3A_103 : memref<1x120xi32, #tpu.memory_space<vmem>> -> memref<120xi32, #tpu.memory_space<vmem>>
    %dma_start3A_105 = arith.constant 0 : i32
    %dma_start3A_106 = tpu.memref_slice %arg4[%arg1, %dma_start3A_100, %dma_start3A_105] : memref<16x85x120xi32, #tpu.memory_space<hbm>> -> memref<1x1x120xi32, #tpu.memory_space<hbm>>
    %dma_start3A_107 = tpu.memref_squeeze %dma_start3A_106 : memref<1x1x120xi32, #tpu.memory_space<hbm>> -> memref<120xi32, #tpu.memory_space<hbm>>
    %dma_start3A_108 = arith.constant 0 : i32
    %dma_start3A_109 = tpu.memref_slice %arg8[%dma_start3A_101, %dma_start3A_108] : memref<6x120xi32, #tpu.memory_space<vmem>> -> memref<1x120xi32, #tpu.memory_space<vmem>>
    %dma_start3A_110 = tpu.memref_squeeze %dma_start3A_109 : memref<1x120xi32, #tpu.memory_space<vmem>> -> memref<120xi32, #tpu.memory_space<vmem>>
    %dma_start3A_111 = arith.constant 0 : i32
    %dma_start3A_112 = tpu.memref_slice %arg4[%arg1, %dma_start3A_100, %dma_start3A_111] : memref<16x85x120xi32, #tpu.memory_space<hbm>> -> memref<1x1x120xi32, #tpu.memory_space<hbm>>
    %dma_start3A_113 = tpu.memref_squeeze %dma_start3A_112 : memref<1x1x120xi32, #tpu.memory_space<hbm>> -> memref<120xi32, #tpu.memory_space<hbm>>
    tpu.enqueue_dma source(%dma_start3A_113 : memref<120xi32, #tpu.memory_space<hbm>>) target(%dma_start3A_110 : memref<120xi32, #tpu.memory_space<vmem>>) target_semaphore(%arg26 : memref<!tpu.dma_semaphore, #tpu.memory_space<semaphore_mem>>)
    %dma_start3A_114 = arith.constant 4 : i32
    %dma_start3A_115 = arith.constant 4 : i32
    %dma_start3A_116 = arith.constant 0 : i32
    %dma_start3A_117 = tpu.memref_slice %arg7[%dma_start3A_115, %dma_start3A_116] : memref<6x120xi32, #tpu.memory_space<vmem>> -> memref<1x120xi32, #tpu.memory_space<vmem>>
    %dma_start3A_118 = tpu.memref_squeeze %dma_start3A_117 : memref<1x120xi32, #tpu.memory_space<vmem>> -> memref<120xi32, #tpu.memory_space<vmem>>
    %dma_start3A_119 = arith.constant 0 : i32
    %dma_start3A_120 = tpu.memref_slice %arg3[%arg0, %arg1, %dma_start3A_114, %dma_start3A_119] : memref<2x16x85x120xi32, #tpu.memory_space<hbm>> -> memref<1x1x1x120xi32, #tpu.memory_space<hbm>>
    %dma_start3A_121 = tpu.memref_squeeze %dma_start3A_120 : memref<1x1x1x120xi32, #tpu.memory_space<hbm>> -> memref<120xi32, #tpu.memory_space<hbm>>
    %dma_start3A_122 = arith.constant 0 : i32
    %dma_start3A_123 = tpu.memref_slice %arg7[%dma_start3A_115, %dma_start3A_122] : memref<6x120xi32, #tpu.memory_space<vmem>> -> memref<1x120xi32, #tpu.memory_space<vmem>>
    %dma_start3A_124 = tpu.memref_squeeze %dma_start3A_123 : memref<1x120xi32, #tpu.memory_space<vmem>> -> memref<120xi32, #tpu.memory_space<vmem>>
    %dma_start3A_125 = arith.constant 0 : i32
    %dma_start3A_126 = tpu.memref_slice %arg3[%arg0, %arg1, %dma_start3A_114, %dma_start3A_125] : memref<2x16x85x120xi32, #tpu.memory_space<hbm>> -> memref<1x1x1x120xi32, #tpu.memory_space<hbm>>
    %dma_start3A_127 = tpu.memref_squeeze %dma_start3A_126 : memref<1x1x1x120xi32, #tpu.memory_space<hbm>> -> memref<120xi32, #tpu.memory_space<hbm>>
    tpu.enqueue_dma source(%dma_start3A_127 : memref<120xi32, #tpu.memory_space<hbm>>) target(%dma_start3A_124 : memref<120xi32, #tpu.memory_space<vmem>>) target_semaphore(%arg21 : memref<!tpu.dma_semaphore, #tpu.memory_space<semaphore_mem>>)
    %dma_start3A_128 = arith.constant 4 : i32
    %dma_start3A_129 = arith.constant 4 : i32
    %dma_start3A_130 = arith.constant 0 : i32
    %dma_start3A_131 = tpu.memref_slice %arg8[%dma_start3A_129, %dma_start3A_130] : memref<6x120xi32, #tpu.memory_space<vmem>> -> memref<1x120xi32, #tpu.memory_space<vmem>>
    %dma_start3A_132 = tpu.memref_squeeze %dma_start3A_131 : memref<1x120xi32, #tpu.memory_space<vmem>> -> memref<120xi32, #tpu.memory_space<vmem>>
    %dma_start3A_133 = arith.constant 0 : i32
    %dma_start3A_134 = tpu.memref_slice %arg4[%arg1, %dma_start3A_128, %dma_start3A_133] : memref<16x85x120xi32, #tpu.memory_space<hbm>> -> memref<1x1x120xi32, #tpu.memory_space<hbm>>
    %dma_start3A_135 = tpu.memref_squeeze %dma_start3A_134 : memref<1x1x120xi32, #tpu.memory_space<hbm>> -> memref<120xi32, #tpu.memory_space<hbm>>
    %dma_start3A_136 = arith.constant 0 : i32
    %dma_start3A_137 = tpu.memref_slice %arg8[%dma_start3A_129, %dma_start3A_136] : memref<6x120xi32, #tpu.memory_space<vmem>> -> memref<1x120xi32, #tpu.memory_space<vmem>>
    %dma_start3A_138 = tpu.memref_squeeze %dma_start3A_137 : memref<1x120xi32, #tpu.memory_space<vmem>> -> memref<120xi32, #tpu.memory_space<vmem>>
    %dma_start3A_139 = arith.constant 0 : i32
    %dma_start3A_140 = tpu.memref_slice %arg4[%arg1, %dma_start3A_128, %dma_start3A_139] : memref<16x85x120xi32, #tpu.memory_space<hbm>> -> memref<1x1x120xi32, #tpu.memory_space<hbm>>
    %dma_start3A_141 = tpu.memref_squeeze %dma_start3A_140 : memref<1x1x120xi32, #tpu.memory_space<hbm>> -> memref<120xi32, #tpu.memory_space<hbm>>
    tpu.enqueue_dma source(%dma_start3A_141 : memref<120xi32, #tpu.memory_space<hbm>>) target(%dma_start3A_138 : memref<120xi32, #tpu.memory_space<vmem>>) target_semaphore(%arg27 : memref<!tpu.dma_semaphore, #tpu.memory_space<semaphore_mem>>)
    %dma_wait3A = arith.constant 0 : i32
    %dma_wait3A_142 = tpu.memref_slice %arg10[%mul3A_0, %dma_wait3A] : memref<10112x128xf32, #tpu.memory_space<vmem_shared>> -> memref<632x128xf32, #tpu.memory_space<vmem_shared>>
    tpu.wait_dma2 semaphore(%arg29 : memref<!tpu.dma_semaphore, #tpu.memory_space<semaphore_mem>>) src(%arg5 : memref<632x128xf32, #tpu.memory_space<hbm>>) dst(%dma_wait3A_142 : memref<632x128xf32, #tpu.memory_space<vmem_shared>>)
    %barrier3A = arith.constant 0 : index
    tpu.barrier barrier_id(%barrier3A)
    %dma_wait3A_143 = arith.constant 0 : i32
    %dma_wait3A_144 = arith.constant 0 : i32
    %dma_wait3A_145 = arith.constant 0 : i32
    %dma_wait3A_146 = tpu.memref_slice %arg7[%dma_wait3A_144, %dma_wait3A_145] : memref<6x120xi32, #tpu.memory_space<vmem>> -> memref<1x120xi32, #tpu.memory_space<vmem>>
    %dma_wait3A_147 = tpu.memref_squeeze %dma_wait3A_146 : memref<1x120xi32, #tpu.memory_space<vmem>> -> memref<120xi32, #tpu.memory_space<vmem>>
    %dma_wait3A_148 = arith.constant 0 : i32
    %dma_wait3A_149 = tpu.memref_slice %arg3[%arg0, %arg1, %dma_wait3A_143, %dma_wait3A_148] : memref<2x16x85x120xi32, #tpu.memory_space<hbm>> -> memref<1x1x1x120xi32, #tpu.memory_space<hbm>>
    %dma_wait3A_150 = tpu.memref_squeeze %dma_wait3A_149 : memref<1x1x1x120xi32, #tpu.memory_space<hbm>> -> memref<120xi32, #tpu.memory_space<hbm>>
    %dma_wait3A_151 = arith.constant 0 : i32
    %dma_wait3A_152 = tpu.memref_slice %arg7[%dma_wait3A_144, %dma_wait3A_151] : memref<6x120xi32, #tpu.memory_space<vmem>> -> memref<1x120xi32, #tpu.memory_space<vmem>>
    %dma_wait3A_153 = tpu.memref_squeeze %dma_wait3A_152 : memref<1x120xi32, #tpu.memory_space<vmem>> -> memref<120xi32, #tpu.memory_space<vmem>>
    %dma_wait3A_154 = arith.constant 0 : i32
    %dma_wait3A_155 = tpu.memref_slice %arg3[%arg0, %arg1, %dma_wait3A_143, %dma_wait3A_154] : memref<2x16x85x120xi32, #tpu.memory_space<hbm>> -> memref<1x1x1x120xi32, #tpu.memory_space<hbm>>
    %dma_wait3A_156 = tpu.memref_squeeze %dma_wait3A_155 : memref<1x1x1x120xi32, #tpu.memory_space<hbm>> -> memref<120xi32, #tpu.memory_space<hbm>>
    tpu.wait_dma2 semaphore(%arg17 : memref<!tpu.dma_semaphore, #tpu.memory_space<semaphore_mem>>) src(%dma_wait3A_156 : memref<120xi32, #tpu.memory_space<hbm>>) dst(%dma_wait3A_153 : memref<120xi32, #tpu.memory_space<vmem>>)
    %dma_start3A_157 = arith.constant 0 : i32
    %dma_start3A_158 = arith.constant 0 : i32
    %dma_start3A_159 = arith.constant 0 : i32
    %dma_start3A_160 = arith.constant 0 : i32
    %dma_start3A_161 = tpu.memref_slice %arg9[%dma_start3A_158, %dma_start3A_159, %dma_start3A_160] : memref<3x120x128xf32, #tpu.memory_space<vmem>> -> memref<1x120x128xf32, #tpu.memory_space<vmem>>
    %dma_start3A_162 = tpu.memref_squeeze %dma_start3A_161 : memref<1x120x128xf32, #tpu.memory_space<vmem>> -> memref<120x128xf32, #tpu.memory_space<vmem>>
    %dma_start3A_163 = arith.constant 0 : i32
    %dma_start3A_164 = tpu.memref_slice %arg7[%dma_start3A_157, %dma_start3A_163] : memref<6x120xi32, #tpu.memory_space<vmem>> -> memref<1x120xi32, #tpu.memory_space<vmem>>
    %dma_start3A_165 = tpu.memref_squeeze %dma_start3A_164 : memref<1x120xi32, #tpu.memory_space<vmem>> -> memref<120xi32, #tpu.memory_space<vmem>>
    %dma_start3A_166 = arith.constant 0 : i32
    %dma_start3A_167 = arith.constant 0 : i32
    %dma_start3A_168 = tpu.memref_slice %arg2[%dma_start3A_166, %dma_start3A_167] : memref<20016x128xf32, #tpu.memory_space<hbm>> -> memref<20016x128xf32, #tpu.memory_space<hbm>>
    tpu.enqueue_indirect_dma source(%dma_start3A_168 : memref<20016x128xf32, #tpu.memory_space<hbm>>) target(%dma_start3A_162 : memref<120x128xf32, #tpu.memory_space<vmem>>) offsets(%dma_start3A_165 : memref<120xi32, #tpu.memory_space<vmem>>) semaphore(%arg11 : memref<!tpu.dma_semaphore, #tpu.memory_space<semaphore_mem>>)
    %dma_wait3A_169 = arith.constant 1 : i32
    %dma_wait3A_170 = arith.constant 1 : i32
    %dma_wait3A_171 = arith.constant 0 : i32
    %dma_wait3A_172 = tpu.memref_slice %arg7[%dma_wait3A_170, %dma_wait3A_171] : memref<6x120xi32, #tpu.memory_space<vmem>> -> memref<1x120xi32, #tpu.memory_space<vmem>>
    %dma_wait3A_173 = tpu.memref_squeeze %dma_wait3A_172 : memref<1x120xi32, #tpu.memory_space<vmem>> -> memref<120xi32, #tpu.memory_space<vmem>>
    %dma_wait3A_174 = arith.constant 0 : i32
    %dma_wait3A_175 = tpu.memref_slice %arg3[%arg0, %arg1, %dma_wait3A_169, %dma_wait3A_174] : memref<2x16x85x120xi32, #tpu.memory_space<hbm>> -> memref<1x1x1x120xi32, #tpu.memory_space<hbm>>
    %dma_wait3A_176 = tpu.memref_squeeze %dma_wait3A_175 : memref<1x1x1x120xi32, #tpu.memory_space<hbm>> -> memref<120xi32, #tpu.memory_space<hbm>>
    %dma_wait3A_177 = arith.constant 0 : i32
    %dma_wait3A_178 = tpu.memref_slice %arg7[%dma_wait3A_170, %dma_wait3A_177] : memref<6x120xi32, #tpu.memory_space<vmem>> -> memref<1x120xi32, #tpu.memory_space<vmem>>
    %dma_wait3A_179 = tpu.memref_squeeze %dma_wait3A_178 : memref<1x120xi32, #tpu.memory_space<vmem>> -> memref<120xi32, #tpu.memory_space<vmem>>
    %dma_wait3A_180 = arith.constant 0 : i32
    %dma_wait3A_181 = tpu.memref_slice %arg3[%arg0, %arg1, %dma_wait3A_169, %dma_wait3A_180] : memref<2x16x85x120xi32, #tpu.memory_space<hbm>> -> memref<1x1x1x120xi32, #tpu.memory_space<hbm>>
    %dma_wait3A_182 = tpu.memref_squeeze %dma_wait3A_181 : memref<1x1x1x120xi32, #tpu.memory_space<hbm>> -> memref<120xi32, #tpu.memory_space<hbm>>
    tpu.wait_dma2 semaphore(%arg18 : memref<!tpu.dma_semaphore, #tpu.memory_space<semaphore_mem>>) src(%dma_wait3A_182 : memref<120xi32, #tpu.memory_space<hbm>>) dst(%dma_wait3A_179 : memref<120xi32, #tpu.memory_space<vmem>>)
    %dma_start3A_183 = arith.constant 1 : i32
    %dma_start3A_184 = arith.constant 1 : i32
    %dma_start3A_185 = arith.constant 0 : i32
    %dma_start3A_186 = arith.constant 0 : i32
    %dma_start3A_187 = tpu.memref_slice %arg9[%dma_start3A_184, %dma_start3A_185, %dma_start3A_186] : memref<3x120x128xf32, #tpu.memory_space<vmem>> -> memref<1x120x128xf32, #tpu.memory_space<vmem>>
    %dma_start3A_188 = tpu.memref_squeeze %dma_start3A_187 : memref<1x120x128xf32, #tpu.memory_space<vmem>> -> memref<120x128xf32, #tpu.memory_space<vmem>>
    %dma_start3A_189 = arith.constant 0 : i32
    %dma_start3A_190 = tpu.memref_slice %arg7[%dma_start3A_183, %dma_start3A_189] : memref<6x120xi32, #tpu.memory_space<vmem>> -> memref<1x120xi32, #tpu.memory_space<vmem>>
    %dma_start3A_191 = tpu.memref_squeeze %dma_start3A_190 : memref<1x120xi32, #tpu.memory_space<vmem>> -> memref<120xi32, #tpu.memory_space<vmem>>
    %dma_start3A_192 = arith.constant 0 : i32
    %dma_start3A_193 = arith.constant 0 : i32
    %dma_start3A_194 = tpu.memref_slice %arg2[%dma_start3A_192, %dma_start3A_193] : memref<20016x128xf32, #tpu.memory_space<hbm>> -> memref<20016x128xf32, #tpu.memory_space<hbm>>
    tpu.enqueue_indirect_dma source(%dma_start3A_194 : memref<20016x128xf32, #tpu.memory_space<hbm>>) target(%dma_start3A_188 : memref<120x128xf32, #tpu.memory_space<vmem>>) offsets(%dma_start3A_191 : memref<120xi32, #tpu.memory_space<vmem>>) semaphore(%arg12 : memref<!tpu.dma_semaphore, #tpu.memory_space<semaphore_mem>>)
    %dma_wait3A_195 = arith.constant 0 : i32
    %dma_wait3A_196 = arith.constant 0 : i32
    %dma_wait3A_197 = arith.constant 0 : i32
    %dma_wait3A_198 = arith.constant 0 : i32
    %dma_wait3A_199 = tpu.memref_slice %arg9[%dma_wait3A_196, %dma_wait3A_197, %dma_wait3A_198] : memref<3x120x128xf32, #tpu.memory_space<vmem>> -> memref<1x120x128xf32, #tpu.memory_space<vmem>>
    %dma_wait3A_200 = tpu.memref_squeeze %dma_wait3A_199 : memref<1x120x128xf32, #tpu.memory_space<vmem>> -> memref<120x128xf32, #tpu.memory_space<vmem>>
    %dma_wait3A_201 = arith.constant 0 : i32
    %dma_wait3A_202 = tpu.memref_slice %arg7[%dma_wait3A_195, %dma_wait3A_201] : memref<6x120xi32, #tpu.memory_space<vmem>> -> memref<1x120xi32, #tpu.memory_space<vmem>>
    %dma_wait3A_203 = tpu.memref_squeeze %dma_wait3A_202 : memref<1x120xi32, #tpu.memory_space<vmem>> -> memref<120xi32, #tpu.memory_space<vmem>>
    %dma_wait3A_204 = arith.constant 0 : i32
    %dma_wait3A_205 = arith.constant 0 : i32
    %dma_wait3A_206 = tpu.memref_slice %arg2[%dma_wait3A_204, %dma_wait3A_205] : memref<20016x128xf32, #tpu.memory_space<hbm>> -> memref<20016x128xf32, #tpu.memory_space<hbm>>
    tpu.wait_indirect_dma semaphore(%arg11 : memref<!tpu.dma_semaphore, #tpu.memory_space<semaphore_mem>>) src(%dma_wait3A_206 : memref<20016x128xf32, #tpu.memory_space<hbm>>) dst(%dma_wait3A_200 : memref<120x128xf32, #tpu.memory_space<vmem>>)
    %dma_wait3A_207 = arith.constant 0 : i32
    %dma_wait3A_208 = arith.constant 0 : i32
    %dma_wait3A_209 = arith.constant 0 : i32
    %dma_wait3A_210 = tpu.memref_slice %arg8[%dma_wait3A_208, %dma_wait3A_209] : memref<6x120xi32, #tpu.memory_space<vmem>> -> memref<1x120xi32, #tpu.memory_space<vmem>>
    %dma_wait3A_211 = tpu.memref_squeeze %dma_wait3A_210 : memref<1x120xi32, #tpu.memory_space<vmem>> -> memref<120xi32, #tpu.memory_space<vmem>>
    %dma_wait3A_212 = arith.constant 0 : i32
    %dma_wait3A_213 = tpu.memref_slice %arg4[%arg1, %dma_wait3A_207, %dma_wait3A_212] : memref<16x85x120xi32, #tpu.memory_space<hbm>> -> memref<1x1x120xi32, #tpu.memory_space<hbm>>
    %dma_wait3A_214 = tpu.memref_squeeze %dma_wait3A_213 : memref<1x1x120xi32, #tpu.memory_space<hbm>> -> memref<120xi32, #tpu.memory_space<hbm>>
    %dma_wait3A_215 = arith.constant 0 : i32
    %dma_wait3A_216 = tpu.memref_slice %arg8[%dma_wait3A_208, %dma_wait3A_215] : memref<6x120xi32, #tpu.memory_space<vmem>> -> memref<1x120xi32, #tpu.memory_space<vmem>>
    %dma_wait3A_217 = tpu.memref_squeeze %dma_wait3A_216 : memref<1x120xi32, #tpu.memory_space<vmem>> -> memref<120xi32, #tpu.memory_space<vmem>>
    %dma_wait3A_218 = arith.constant 0 : i32
    %dma_wait3A_219 = tpu.memref_slice %arg4[%arg1, %dma_wait3A_207, %dma_wait3A_218] : memref<16x85x120xi32, #tpu.memory_space<hbm>> -> memref<1x1x120xi32, #tpu.memory_space<hbm>>
    %dma_wait3A_220 = tpu.memref_squeeze %dma_wait3A_219 : memref<1x1x120xi32, #tpu.memory_space<hbm>> -> memref<120xi32, #tpu.memory_space<hbm>>
    tpu.wait_dma2 semaphore(%arg23 : memref<!tpu.dma_semaphore, #tpu.memory_space<semaphore_mem>>) src(%dma_wait3A_220 : memref<120xi32, #tpu.memory_space<hbm>>) dst(%dma_wait3A_217 : memref<120xi32, #tpu.memory_space<vmem>>)
    %dma_start3A_221 = arith.constant 0 : i32
    %dma_start3A_222 = arith.constant 0 : i32
    %dma_start3A_223 = arith.constant 0 : i32
    %dma_start3A_224 = arith.constant 0 : i32
    %dma_start3A_225 = tpu.memref_slice %arg9[%dma_start3A_221, %dma_start3A_223, %dma_start3A_224] : memref<3x120x128xf32, #tpu.memory_space<vmem>> -> memref<1x120x128xf32, #tpu.memory_space<vmem>>
    %dma_start3A_226 = tpu.memref_squeeze %dma_start3A_225 : memref<1x120x128xf32, #tpu.memory_space<vmem>> -> memref<120x128xf32, #tpu.memory_space<vmem>>
    %dma_start3A_227 = arith.constant 0 : i32
    %dma_start3A_228 = tpu.memref_slice %arg8[%dma_start3A_222, %dma_start3A_227] : memref<6x120xi32, #tpu.memory_space<vmem>> -> memref<1x120xi32, #tpu.memory_space<vmem>>
    %dma_start3A_229 = tpu.memref_squeeze %dma_start3A_228 : memref<1x120xi32, #tpu.memory_space<vmem>> -> memref<120xi32, #tpu.memory_space<vmem>>
    %dma_start3A_230 = arith.constant 0 : i32
    %dma_start3A_231 = arith.constant 0 : i32
    %dma_start3A_232 = tpu.memref_slice %arg10[%dma_start3A_230, %dma_start3A_231] : memref<10112x128xf32, #tpu.memory_space<vmem_shared>> -> memref<10112x128xf32, #tpu.memory_space<vmem_shared>>
    tpu.enqueue_indirect_dma source(%dma_start3A_226 : memref<120x128xf32, #tpu.memory_space<vmem>>) target(%dma_start3A_232 : memref<10112x128xf32, #tpu.memory_space<vmem_shared>>) offsets(%dma_start3A_229 : memref<120xi32, #tpu.memory_space<vmem>>) semaphore(%arg14 : memref<!tpu.dma_semaphore, #tpu.memory_space<semaphore_mem>>) {add = true}
    %dma_start3A_233 = arith.constant 5 : i32
    %dma_start3A_234 = arith.constant 5 : i32
    %dma_start3A_235 = arith.constant 0 : i32
    %dma_start3A_236 = tpu.memref_slice %arg7[%dma_start3A_234, %dma_start3A_235] : memref<6x120xi32, #tpu.memory_space<vmem>> -> memref<1x120xi32, #tpu.memory_space<vmem>>
    %dma_start3A_237 = tpu.memref_squeeze %dma_start3A_236 : memref<1x120xi32, #tpu.memory_space<vmem>> -> memref<120xi32, #tpu.memory_space<vmem>>
    %dma_start3A_238 = arith.constant 0 : i32
    %dma_start3A_239 = tpu.memref_slice %arg3[%arg0, %arg1, %dma_start3A_233, %dma_start3A_238] : memref<2x16x85x120xi32, #tpu.memory_space<hbm>> -> memref<1x1x1x120xi32, #tpu.memory_space<hbm>>
    %dma_start3A_240 = tpu.memref_squeeze %dma_start3A_239 : memref<1x1x1x120xi32, #tpu.memory_space<hbm>> -> memref<120xi32, #tpu.memory_space<hbm>>
    %dma_start3A_241 = arith.constant 0 : i32
    %dma_start3A_242 = tpu.memref_slice %arg7[%dma_start3A_234, %dma_start3A_241] : memref<6x120xi32, #tpu.memory_space<vmem>> -> memref<1x120xi32, #tpu.memory_space<vmem>>
    %dma_start3A_243 = tpu.memref_squeeze %dma_start3A_242 : memref<1x120xi32, #tpu.memory_space<vmem>> -> memref<120xi32, #tpu.memory_space<vmem>>
    %dma_start3A_244 = arith.constant 0 : i32
    %dma_start3A_245 = tpu.memref_slice %arg3[%arg0, %arg1, %dma_start3A_233, %dma_start3A_244] : memref<2x16x85x120xi32, #tpu.memory_space<hbm>> -> memref<1x1x1x120xi32, #tpu.memory_space<hbm>>
    %dma_start3A_246 = tpu.memref_squeeze %dma_start3A_245 : memref<1x1x1x120xi32, #tpu.memory_space<hbm>> -> memref<120xi32, #tpu.memory_space<hbm>>
    tpu.enqueue_dma source(%dma_start3A_246 : memref<120xi32, #tpu.memory_space<hbm>>) target(%dma_start3A_243 : memref<120xi32, #tpu.memory_space<vmem>>) target_semaphore(%arg22 : memref<!tpu.dma_semaphore, #tpu.memory_space<semaphore_mem>>)
    %dma_start3A_247 = arith.constant 5 : i32
    %dma_start3A_248 = arith.constant 5 : i32
    %dma_start3A_249 = arith.constant 0 : i32
    %dma_start3A_250 = tpu.memref_slice %arg8[%dma_start3A_248, %dma_start3A_249] : memref<6x120xi32, #tpu.memory_space<vmem>> -> memref<1x120xi32, #tpu.memory_space<vmem>>
    %dma_start3A_251 = tpu.memref_squeeze %dma_start3A_250 : memref<1x120xi32, #tpu.memory_space<vmem>> -> memref<120xi32, #tpu.memory_space<vmem>>
    %dma_start3A_252 = arith.constant 0 : i32
    %dma_start3A_253 = tpu.memref_slice %arg4[%arg1, %dma_start3A_247, %dma_start3A_252] : memref<16x85x120xi32, #tpu.memory_space<hbm>> -> memref<1x1x120xi32, #tpu.memory_space<hbm>>
    %dma_start3A_254 = tpu.memref_squeeze %dma_start3A_253 : memref<1x1x120xi32, #tpu.memory_space<hbm>> -> memref<120xi32, #tpu.memory_space<hbm>>
    %dma_start3A_255 = arith.constant 0 : i32
    %dma_start3A_256 = tpu.memref_slice %arg8[%dma_start3A_248, %dma_start3A_255] : memref<6x120xi32, #tpu.memory_space<vmem>> -> memref<1x120xi32, #tpu.memory_space<vmem>>
    %dma_start3A_257 = tpu.memref_squeeze %dma_start3A_256 : memref<1x120xi32, #tpu.memory_space<vmem>> -> memref<120xi32, #tpu.memory_space<vmem>>
    %dma_start3A_258 = arith.constant 0 : i32
    %dma_start3A_259 = tpu.memref_slice %arg4[%arg1, %dma_start3A_247, %dma_start3A_258] : memref<16x85x120xi32, #tpu.memory_space<hbm>> -> memref<1x1x120xi32, #tpu.memory_space<hbm>>
    %dma_start3A_260 = tpu.memref_squeeze %dma_start3A_259 : memref<1x1x120xi32, #tpu.memory_space<hbm>> -> memref<120xi32, #tpu.memory_space<hbm>>
    tpu.enqueue_dma source(%dma_start3A_260 : memref<120xi32, #tpu.memory_space<hbm>>) target(%dma_start3A_257 : memref<120xi32, #tpu.memory_space<vmem>>) target_semaphore(%arg28 : memref<!tpu.dma_semaphore, #tpu.memory_space<semaphore_mem>>)
    %dma_wait3A_261 = arith.constant 2 : i32
    %dma_wait3A_262 = arith.constant 2 : i32
    %dma_wait3A_263 = arith.constant 0 : i32
    %dma_wait3A_264 = tpu.memref_slice %arg7[%dma_wait3A_262, %dma_wait3A_263] : memref<6x120xi32, #tpu.memory_space<vmem>> -> memref<1x120xi32, #tpu.memory_space<vmem>>
    %dma_wait3A_265 = tpu.memref_squeeze %dma_wait3A_264 : memref<1x120xi32, #tpu.memory_space<vmem>> -> memref<120xi32, #tpu.memory_space<vmem>>
    %dma_wait3A_266 = arith.constant 0 : i32
    %dma_wait3A_267 = tpu.memref_slice %arg3[%arg0, %arg1, %dma_wait3A_261, %dma_wait3A_266] : memref<2x16x85x120xi32, #tpu.memory_space<hbm>> -> memref<1x1x1x120xi32, #tpu.memory_space<hbm>>
    %dma_wait3A_268 = tpu.memref_squeeze %dma_wait3A_267 : memref<1x1x1x120xi32, #tpu.memory_space<hbm>> -> memref<120xi32, #tpu.memory_space<hbm>>
    %dma_wait3A_269 = arith.constant 0 : i32
    %dma_wait3A_270 = tpu.memref_slice %arg7[%dma_wait3A_262, %dma_wait3A_269] : memref<6x120xi32, #tpu.memory_space<vmem>> -> memref<1x120xi32, #tpu.memory_space<vmem>>
    %dma_wait3A_271 = tpu.memref_squeeze %dma_wait3A_270 : memref<1x120xi32, #tpu.memory_space<vmem>> -> memref<120xi32, #tpu.memory_space<vmem>>
    %dma_wait3A_272 = arith.constant 0 : i32
    %dma_wait3A_273 = tpu.memref_slice %arg3[%arg0, %arg1, %dma_wait3A_261, %dma_wait3A_272] : memref<2x16x85x120xi32, #tpu.memory_space<hbm>> -> memref<1x1x1x120xi32, #tpu.memory_space<hbm>>
    %dma_wait3A_274 = tpu.memref_squeeze %dma_wait3A_273 : memref<1x1x1x120xi32, #tpu.memory_space<hbm>> -> memref<120xi32, #tpu.memory_space<hbm>>
    tpu.wait_dma2 semaphore(%arg19 : memref<!tpu.dma_semaphore, #tpu.memory_space<semaphore_mem>>) src(%dma_wait3A_274 : memref<120xi32, #tpu.memory_space<hbm>>) dst(%dma_wait3A_271 : memref<120xi32, #tpu.memory_space<vmem>>)
    %dma_start3A_275 = arith.constant 2 : i32
    %dma_start3A_276 = arith.constant 2 : i32
    %dma_start3A_277 = arith.constant 0 : i32
    %dma_start3A_278 = arith.constant 0 : i32
    %dma_start3A_279 = tpu.memref_slice %arg9[%dma_start3A_276, %dma_start3A_277, %dma_start3A_278] : memref<3x120x128xf32, #tpu.memory_space<vmem>> -> memref<1x120x128xf32, #tpu.memory_space<vmem>>
    %dma_start3A_280 = tpu.memref_squeeze %dma_start3A_279 : memref<1x120x128xf32, #tpu.memory_space<vmem>> -> memref<120x128xf32, #tpu.memory_space<vmem>>
    %dma_start3A_281 = arith.constant 0 : i32
    %dma_start3A_282 = tpu.memref_slice %arg7[%dma_start3A_275, %dma_start3A_281] : memref<6x120xi32, #tpu.memory_space<vmem>> -> memref<1x120xi32, #tpu.memory_space<vmem>>
    %dma_start3A_283 = tpu.memref_squeeze %dma_start3A_282 : memref<1x120xi32, #tpu.memory_space<vmem>> -> memref<120xi32, #tpu.memory_space<vmem>>
    %dma_start3A_284 = arith.constant 0 : i32
    %dma_start3A_285 = arith.constant 0 : i32
    %dma_start3A_286 = tpu.memref_slice %arg2[%dma_start3A_284, %dma_start3A_285] : memref<20016x128xf32, #tpu.memory_space<hbm>> -> memref<20016x128xf32, #tpu.memory_space<hbm>>
    tpu.enqueue_indirect_dma source(%dma_start3A_286 : memref<20016x128xf32, #tpu.memory_space<hbm>>) target(%dma_start3A_280 : memref<120x128xf32, #tpu.memory_space<vmem>>) offsets(%dma_start3A_283 : memref<120xi32, #tpu.memory_space<vmem>>) semaphore(%arg13 : memref<!tpu.dma_semaphore, #tpu.memory_space<semaphore_mem>>)
    %scan3A = arith.constant 0 : i32
    %scan3A_287 = arith.constant 0 : i32
    %scan3A_288 = arith.constant 14 : i32
    %scan3A_289 = arith.addi %scan3A_287, %scan3A_288 : i32
    %scan3A_290 = arith.constant 1 : i32
    scf.for %scan3A_305 = %scan3A_287 to %scan3A_289 step %scan3A_290  : i32 {
      %mul3A_306 = arith.constant 6 : i32
      %mul3A_307 = arith.muli %scan3A_305, %mul3A_306 : i32
      %add3A = arith.constant 1 : i32
      %add3A_308 = arith.addi %add3A, %mul3A_307 : i32
      %add3A_309 = arith.constant 0 : i32
      %add3A_310 = arith.addi %add3A_308, %add3A_309 : i32
      %dma_wait3A_311 = arith.constant 0 : i32
      %dma_wait3A_312 = arith.constant 1 : i32
      %dma_wait3A_313 = arith.constant 0 : i32
      %dma_wait3A_314 = arith.constant 0 : i32
      %dma_wait3A_315 = tpu.memref_slice %arg9[%dma_wait3A_312, %dma_wait3A_313, %dma_wait3A_314] : memref<3x120x128xf32, #tpu.memory_space<vmem>> -> memref<1x120x128xf32, #tpu.memory_space<vmem>>
      %dma_wait3A_316 = tpu.memref_squeeze %dma_wait3A_315 : memref<1x120x128xf32, #tpu.memory_space<vmem>> -> memref<120x128xf32, #tpu.memory_space<vmem>>
      %dma_wait3A_317 = arith.constant 0 : i32
      %dma_wait3A_318 = tpu.memref_slice %arg7[%dma_wait3A_311, %dma_wait3A_317] : memref<6x120xi32, #tpu.memory_space<vmem>> -> memref<1x120xi32, #tpu.memory_space<vmem>>
      %dma_wait3A_319 = tpu.memref_squeeze %dma_wait3A_318 : memref<1x120xi32, #tpu.memory_space<vmem>> -> memref<120xi32, #tpu.memory_space<vmem>>
      %dma_wait3A_320 = arith.constant 0 : i32
      %dma_wait3A_321 = arith.constant 0 : i32
      %dma_wait3A_322 = tpu.memref_slice %arg2[%dma_wait3A_320, %dma_wait3A_321] : memref<20016x128xf32, #tpu.memory_space<hbm>> -> memref<20016x128xf32, #tpu.memory_space<hbm>>
      tpu.wait_indirect_dma semaphore(%arg12 : memref<!tpu.dma_semaphore, #tpu.memory_space<semaphore_mem>>) src(%dma_wait3A_322 : memref<20016x128xf32, #tpu.memory_space<hbm>>) dst(%dma_wait3A_316 : memref<120x128xf32, #tpu.memory_space<vmem>>)
      %dma_wait3A_323 = arith.constant 1 : i32
      %dma_wait3A_324 = arith.constant 0 : i32
      %dma_wait3A_325 = tpu.memref_slice %arg8[%dma_wait3A_323, %dma_wait3A_324] : memref<6x120xi32, #tpu.memory_space<vmem>> -> memref<1x120xi32, #tpu.memory_space<vmem>>
      %dma_wait3A_326 = tpu.memref_squeeze %dma_wait3A_325 : memref<1x120xi32, #tpu.memory_space<vmem>> -> memref<120xi32, #tpu.memory_space<vmem>>
      %dma_wait3A_327 = arith.constant 0 : i32
      %dma_wait3A_328 = tpu.memref_slice %arg4[%arg1, %add3A_310, %dma_wait3A_327] : memref<16x85x120xi32, #tpu.memory_space<hbm>> -> memref<1x1x120xi32, #tpu.memory_space<hbm>>
      %dma_wait3A_329 = tpu.memref_squeeze %dma_wait3A_328 : memref<1x1x120xi32, #tpu.memory_space<hbm>> -> memref<120xi32, #tpu.memory_space<hbm>>
      %dma_wait3A_330 = arith.constant 0 : i32
      %dma_wait3A_331 = tpu.memref_slice %arg8[%dma_wait3A_323, %dma_wait3A_330] : memref<6x120xi32, #tpu.memory_space<vmem>> -> memref<1x120xi32, #tpu.memory_space<vmem>>
      %dma_wait3A_332 = tpu.memref_squeeze %dma_wait3A_331 : memref<1x120xi32, #tpu.memory_space<vmem>> -> memref<120xi32, #tpu.memory_space<vmem>>
      %dma_wait3A_333 = arith.constant 0 : i32
      %dma_wait3A_334 = tpu.memref_slice %arg4[%arg1, %add3A_310, %dma_wait3A_333] : memref<16x85x120xi32, #tpu.memory_space<hbm>> -> memref<1x1x120xi32, #tpu.memory_space<hbm>>
      %dma_wait3A_335 = tpu.memref_squeeze %dma_wait3A_334 : memref<1x1x120xi32, #tpu.memory_space<hbm>> -> memref<120xi32, #tpu.memory_space<hbm>>
      tpu.wait_dma2 semaphore(%arg24 : memref<!tpu.dma_semaphore, #tpu.memory_space<semaphore_mem>>) src(%dma_wait3A_335 : memref<120xi32, #tpu.memory_space<hbm>>) dst(%dma_wait3A_332 : memref<120xi32, #tpu.memory_space<vmem>>)
      %dma_start3A_336 = arith.constant 1 : i32
      %dma_start3A_337 = arith.constant 1 : i32
      %dma_start3A_338 = arith.constant 0 : i32
      %dma_start3A_339 = arith.constant 0 : i32
      %dma_start3A_340 = tpu.memref_slice %arg9[%dma_start3A_336, %dma_start3A_338, %dma_start3A_339] : memref<3x120x128xf32, #tpu.memory_space<vmem>> -> memref<1x120x128xf32, #tpu.memory_space<vmem>>
      %dma_start3A_341 = tpu.memref_squeeze %dma_start3A_340 : memref<1x120x128xf32, #tpu.memory_space<vmem>> -> memref<120x128xf32, #tpu.memory_space<vmem>>
      %dma_start3A_342 = arith.constant 0 : i32
      %dma_start3A_343 = tpu.memref_slice %arg8[%dma_start3A_337, %dma_start3A_342] : memref<6x120xi32, #tpu.memory_space<vmem>> -> memref<1x120xi32, #tpu.memory_space<vmem>>
      %dma_start3A_344 = tpu.memref_squeeze %dma_start3A_343 : memref<1x120xi32, #tpu.memory_space<vmem>> -> memref<120xi32, #tpu.memory_space<vmem>>
      %dma_start3A_345 = arith.constant 0 : i32
      %dma_start3A_346 = arith.constant 0 : i32
      %dma_start3A_347 = tpu.memref_slice %arg10[%dma_start3A_345, %dma_start3A_346] : memref<10112x128xf32, #tpu.memory_space<vmem_shared>> -> memref<10112x128xf32, #tpu.memory_space<vmem_shared>>
      tpu.enqueue_indirect_dma source(%dma_start3A_341 : memref<120x128xf32, #tpu.memory_space<vmem>>) target(%dma_start3A_347 : memref<10112x128xf32, #tpu.memory_space<vmem_shared>>) offsets(%dma_start3A_344 : memref<120xi32, #tpu.memory_space<vmem>>) semaphore(%arg15 : memref<!tpu.dma_semaphore, #tpu.memory_space<semaphore_mem>>) {add = true}
      %dma_wait3A_348 = arith.constant 0 : i32
      %dma_wait3A_349 = arith.constant 0 : i32
      %dma_wait3A_350 = arith.constant 0 : i32
      %dma_wait3A_351 = arith.constant 0 : i32
      %dma_wait3A_352 = tpu.memref_slice %arg9[%dma_wait3A_348, %dma_wait3A_350, %dma_wait3A_351] : memref<3x120x128xf32, #tpu.memory_space<vmem>> -> memref<1x120x128xf32, #tpu.memory_space<vmem>>
      %dma_wait3A_353 = tpu.memref_squeeze %dma_wait3A_352 : memref<1x120x128xf32, #tpu.memory_space<vmem>> -> memref<120x128xf32, #tpu.memory_space<vmem>>
      %dma_wait3A_354 = arith.constant 0 : i32
      %dma_wait3A_355 = tpu.memref_slice %arg8[%dma_wait3A_349, %dma_wait3A_354] : memref<6x120xi32, #tpu.memory_space<vmem>> -> memref<1x120xi32, #tpu.memory_space<vmem>>
      %dma_wait3A_356 = tpu.memref_squeeze %dma_wait3A_355 : memref<1x120xi32, #tpu.memory_space<vmem>> -> memref<120xi32, #tpu.memory_space<vmem>>
      %dma_wait3A_357 = arith.constant 0 : i32
      %dma_wait3A_358 = arith.constant 0 : i32
      %dma_wait3A_359 = tpu.memref_slice %arg10[%dma_wait3A_357, %dma_wait3A_358] : memref<10112x128xf32, #tpu.memory_space<vmem_shared>> -> memref<10112x128xf32, #tpu.memory_space<vmem_shared>>
      tpu.wait_indirect_dma semaphore(%arg14 : memref<!tpu.dma_semaphore, #tpu.memory_space<semaphore_mem>>) src(%dma_wait3A_353 : memref<120x128xf32, #tpu.memory_space<vmem>>) dst(%dma_wait3A_359 : memref<10112x128xf32, #tpu.memory_space<vmem_shared>>)
      %le3A = arith.constant 79 : i32
      %le3A_360 = arith.cmpi sle, %add3A_310, %le3A : i32
      %convert_element_type3A = arith.extui %le3A_360 : i1 to i32
      %cond3A = arith.constant 0 : i32
      %cond3A_361 = arith.cmpi ne, %convert_element_type3A, %cond3A : i32
      scf.if %cond3A_361 {
        %add3A_692 = arith.constant 5 : i32
        %add3A_693 = arith.addi %add3A_310, %add3A_692 : i32
        %dma_start3A_694 = arith.constant 0 : i32
        %dma_start3A_695 = arith.constant 0 : i32
        %dma_start3A_696 = tpu.memref_slice %arg7[%dma_start3A_694, %dma_start3A_695] : memref<6x120xi32, #tpu.memory_space<vmem>> -> memref<1x120xi32, #tpu.memory_space<vmem>>
        %dma_start3A_697 = tpu.memref_squeeze %dma_start3A_696 : memref<1x120xi32, #tpu.memory_space<vmem>> -> memref<120xi32, #tpu.memory_space<vmem>>
        %dma_start3A_698 = arith.constant 0 : i32
        %dma_start3A_699 = tpu.memref_slice %arg3[%arg0, %arg1, %add3A_693, %dma_start3A_698] : memref<2x16x85x120xi32, #tpu.memory_space<hbm>> -> memref<1x1x1x120xi32, #tpu.memory_space<hbm>>
        %dma_start3A_700 = tpu.memref_squeeze %dma_start3A_699 : memref<1x1x1x120xi32, #tpu.memory_space<hbm>> -> memref<120xi32, #tpu.memory_space<hbm>>
        %dma_start3A_701 = arith.constant 0 : i32
        %dma_start3A_702 = tpu.memref_slice %arg7[%dma_start3A_694, %dma_start3A_701] : memref<6x120xi32, #tpu.memory_space<vmem>> -> memref<1x120xi32, #tpu.memory_space<vmem>>
        %dma_start3A_703 = tpu.memref_squeeze %dma_start3A_702 : memref<1x120xi32, #tpu.memory_space<vmem>> -> memref<120xi32, #tpu.memory_space<vmem>>
        %dma_start3A_704 = arith.constant 0 : i32
        %dma_start3A_705 = tpu.memref_slice %arg3[%arg0, %arg1, %add3A_693, %dma_start3A_704] : memref<2x16x85x120xi32, #tpu.memory_space<hbm>> -> memref<1x1x1x120xi32, #tpu.memory_space<hbm>>
        %dma_start3A_706 = tpu.memref_squeeze %dma_start3A_705 : memref<1x1x1x120xi32, #tpu.memory_space<hbm>> -> memref<120xi32, #tpu.memory_space<hbm>>
        tpu.enqueue_dma source(%dma_start3A_706 : memref<120xi32, #tpu.memory_space<hbm>>) target(%dma_start3A_703 : memref<120xi32, #tpu.memory_space<vmem>>) target_semaphore(%arg17 : memref<!tpu.dma_semaphore, #tpu.memory_space<semaphore_mem>>)
        %dma_start3A_707 = arith.constant 0 : i32
        %dma_start3A_708 = arith.constant 0 : i32
        %dma_start3A_709 = tpu.memref_slice %arg8[%dma_start3A_707, %dma_start3A_708] : memref<6x120xi32, #tpu.memory_space<vmem>> -> memref<1x120xi32, #tpu.memory_space<vmem>>
        %dma_start3A_710 = tpu.memref_squeeze %dma_start3A_709 : memref<1x120xi32, #tpu.memory_space<vmem>> -> memref<120xi32, #tpu.memory_space<vmem>>
        %dma_start3A_711 = arith.constant 0 : i32
        %dma_start3A_712 = tpu.memref_slice %arg4[%arg1, %add3A_693, %dma_start3A_711] : memref<16x85x120xi32, #tpu.memory_space<hbm>> -> memref<1x1x120xi32, #tpu.memory_space<hbm>>
        %dma_start3A_713 = tpu.memref_squeeze %dma_start3A_712 : memref<1x1x120xi32, #tpu.memory_space<hbm>> -> memref<120xi32, #tpu.memory_space<hbm>>
        %dma_start3A_714 = arith.constant 0 : i32
        %dma_start3A_715 = tpu.memref_slice %arg8[%dma_start3A_707, %dma_start3A_714] : memref<6x120xi32, #tpu.memory_space<vmem>> -> memref<1x120xi32, #tpu.memory_space<vmem>>
        %dma_start3A_716 = tpu.memref_squeeze %dma_start3A_715 : memref<1x120xi32, #tpu.memory_space<vmem>> -> memref<120xi32, #tpu.memory_space<vmem>>
        %dma_start3A_717 = arith.constant 0 : i32
        %dma_start3A_718 = tpu.memref_slice %arg4[%arg1, %add3A_693, %dma_start3A_717] : memref<16x85x120xi32, #tpu.memory_space<hbm>> -> memref<1x1x120xi32, #tpu.memory_space<hbm>>
        %dma_start3A_719 = tpu.memref_squeeze %dma_start3A_718 : memref<1x1x120xi32, #tpu.memory_space<hbm>> -> memref<120xi32, #tpu.memory_space<hbm>>
        tpu.enqueue_dma source(%dma_start3A_719 : memref<120xi32, #tpu.memory_space<hbm>>) target(%dma_start3A_716 : memref<120xi32, #tpu.memory_space<vmem>>) target_semaphore(%arg23 : memref<!tpu.dma_semaphore, #tpu.memory_space<semaphore_mem>>)
      } else {
      }
      %le3A_362 = arith.constant 82 : i32
      %le3A_363 = arith.cmpi sle, %add3A_310, %le3A_362 : i32
      %convert_element_type3A_364 = arith.extui %le3A_363 : i1 to i32
      %cond3A_365 = arith.constant 0 : i32
      %cond3A_366 = arith.cmpi ne, %convert_element_type3A_364, %cond3A_365 : i32
      scf.if %cond3A_366 {
        %add3A_692 = arith.constant 2 : i32
        %add3A_693 = arith.addi %add3A_310, %add3A_692 : i32
        %dma_wait3A_694 = arith.constant 3 : i32
        %dma_wait3A_695 = arith.constant 0 : i32
        %dma_wait3A_696 = tpu.memref_slice %arg7[%dma_wait3A_694, %dma_wait3A_695] : memref<6x120xi32, #tpu.memory_space<vmem>> -> memref<1x120xi32, #tpu.memory_space<vmem>>
        %dma_wait3A_697 = tpu.memref_squeeze %dma_wait3A_696 : memref<1x120xi32, #tpu.memory_space<vmem>> -> memref<120xi32, #tpu.memory_space<vmem>>
        %dma_wait3A_698 = arith.constant 0 : i32
        %dma_wait3A_699 = tpu.memref_slice %arg3[%arg0, %arg1, %add3A_693, %dma_wait3A_698] : memref<2x16x85x120xi32, #tpu.memory_space<hbm>> -> memref<1x1x1x120xi32, #tpu.memory_space<hbm>>
        %dma_wait3A_700 = tpu.memref_squeeze %dma_wait3A_699 : memref<1x1x1x120xi32, #tpu.memory_space<hbm>> -> memref<120xi32, #tpu.memory_space<hbm>>
        %dma_wait3A_701 = arith.constant 0 : i32
        %dma_wait3A_702 = tpu.memref_slice %arg7[%dma_wait3A_694, %dma_wait3A_701] : memref<6x120xi32, #tpu.memory_space<vmem>> -> memref<1x120xi32, #tpu.memory_space<vmem>>
        %dma_wait3A_703 = tpu.memref_squeeze %dma_wait3A_702 : memref<1x120xi32, #tpu.memory_space<vmem>> -> memref<120xi32, #tpu.memory_space<vmem>>
        %dma_wait3A_704 = arith.constant 0 : i32
        %dma_wait3A_705 = tpu.memref_slice %arg3[%arg0, %arg1, %add3A_693, %dma_wait3A_704] : memref<2x16x85x120xi32, #tpu.memory_space<hbm>> -> memref<1x1x1x120xi32, #tpu.memory_space<hbm>>
        %dma_wait3A_706 = tpu.memref_squeeze %dma_wait3A_705 : memref<1x1x1x120xi32, #tpu.memory_space<hbm>> -> memref<120xi32, #tpu.memory_space<hbm>>
        tpu.wait_dma2 semaphore(%arg20 : memref<!tpu.dma_semaphore, #tpu.memory_space<semaphore_mem>>) src(%dma_wait3A_706 : memref<120xi32, #tpu.memory_space<hbm>>) dst(%dma_wait3A_703 : memref<120xi32, #tpu.memory_space<vmem>>)
        %dma_start3A_707 = arith.constant 3 : i32
        %dma_start3A_708 = arith.constant 0 : i32
        %dma_start3A_709 = arith.constant 0 : i32
        %dma_start3A_710 = arith.constant 0 : i32
        %dma_start3A_711 = tpu.memref_slice %arg9[%dma_start3A_708, %dma_start3A_709, %dma_start3A_710] : memref<3x120x128xf32, #tpu.memory_space<vmem>> -> memref<1x120x128xf32, #tpu.memory_space<vmem>>
        %dma_start3A_712 = tpu.memref_squeeze %dma_start3A_711 : memref<1x120x128xf32, #tpu.memory_space<vmem>> -> memref<120x128xf32, #tpu.memory_space<vmem>>
        %dma_start3A_713 = arith.constant 0 : i32
        %dma_start3A_714 = tpu.memref_slice %arg7[%dma_start3A_707, %dma_start3A_713] : memref<6x120xi32, #tpu.memory_space<vmem>> -> memref<1x120xi32, #tpu.memory_space<vmem>>
        %dma_start3A_715 = tpu.memref_squeeze %dma_start3A_714 : memref<1x120xi32, #tpu.memory_space<vmem>> -> memref<120xi32, #tpu.memory_space<vmem>>
        %dma_start3A_716 = arith.constant 0 : i32
        %dma_start3A_717 = arith.constant 0 : i32
        %dma_start3A_718 = tpu.memref_slice %arg2[%dma_start3A_716, %dma_start3A_717] : memref<20016x128xf32, #tpu.memory_space<hbm>> -> memref<20016x128xf32, #tpu.memory_space<hbm>>
        tpu.enqueue_indirect_dma source(%dma_start3A_718 : memref<20016x128xf32, #tpu.memory_space<hbm>>) target(%dma_start3A_712 : memref<120x128xf32, #tpu.memory_space<vmem>>) offsets(%dma_start3A_715 : memref<120xi32, #tpu.memory_space<vmem>>) semaphore(%arg11 : memref<!tpu.dma_semaphore, #tpu.memory_space<semaphore_mem>>)
      } else {
      }
      %mul3A_367 = arith.constant 6 : i32
      %mul3A_368 = arith.muli %scan3A_305, %mul3A_367 : i32
      %add3A_369 = arith.constant 1 : i32
      %add3A_370 = arith.addi %add3A_369, %mul3A_368 : i32
      %add3A_371 = arith.constant 1 : i32
      %add3A_372 = arith.addi %add3A_370, %add3A_371 : i32
      %dma_wait3A_373 = arith.constant 0 : i32
      %dma_wait3A_374 = arith.constant 2 : i32
      %dma_wait3A_375 = arith.constant 0 : i32
      %dma_wait3A_376 = arith.constant 0 : i32
      %dma_wait3A_377 = tpu.memref_slice %arg9[%dma_wait3A_374, %dma_wait3A_375, %dma_wait3A_376] : memref<3x120x128xf32, #tpu.memory_space<vmem>> -> memref<1x120x128xf32, #tpu.memory_space<vmem>>
      %dma_wait3A_378 = tpu.memref_squeeze %dma_wait3A_377 : memref<1x120x128xf32, #tpu.memory_space<vmem>> -> memref<120x128xf32, #tpu.memory_space<vmem>>
      %dma_wait3A_379 = arith.constant 0 : i32
      %dma_wait3A_380 = tpu.memref_slice %arg7[%dma_wait3A_373, %dma_wait3A_379] : memref<6x120xi32, #tpu.memory_space<vmem>> -> memref<1x120xi32, #tpu.memory_space<vmem>>
      %dma_wait3A_381 = tpu.memref_squeeze %dma_wait3A_380 : memref<1x120xi32, #tpu.memory_space<vmem>> -> memref<120xi32, #tpu.memory_space<vmem>>
      %dma_wait3A_382 = arith.constant 0 : i32
      %dma_wait3A_383 = arith.constant 0 : i32
      %dma_wait3A_384 = tpu.memref_slice %arg2[%dma_wait3A_382, %dma_wait3A_383] : memref<20016x128xf32, #tpu.memory_space<hbm>> -> memref<20016x128xf32, #tpu.memory_space<hbm>>
      tpu.wait_indirect_dma semaphore(%arg13 : memref<!tpu.dma_semaphore, #tpu.memory_space<semaphore_mem>>) src(%dma_wait3A_384 : memref<20016x128xf32, #tpu.memory_space<hbm>>) dst(%dma_wait3A_378 : memref<120x128xf32, #tpu.memory_space<vmem>>)
      %dma_wait3A_385 = arith.constant 2 : i32
      %dma_wait3A_386 = arith.constant 0 : i32
      %dma_wait3A_387 = tpu.memref_slice %arg8[%dma_wait3A_385, %dma_wait3A_386] : memref<6x120xi32, #tpu.memory_space<vmem>> -> memref<1x120xi32, #tpu.memory_space<vmem>>
      %dma_wait3A_388 = tpu.memref_squeeze %dma_wait3A_387 : memref<1x120xi32, #tpu.memory_space<vmem>> -> memref<120xi32, #tpu.memory_space<vmem>>
      %dma_wait3A_389 = arith.constant 0 : i32
      %dma_wait3A_390 = tpu.memref_slice %arg4[%arg1, %add3A_372, %dma_wait3A_389] : memref<16x85x120xi32, #tpu.memory_space<hbm>> -> memref<1x1x120xi32, #tpu.memory_space<hbm>>
      %dma_wait3A_391 = tpu.memref_squeeze %dma_wait3A_390 : memref<1x1x120xi32, #tpu.memory_space<hbm>> -> memref<120xi32, #tpu.memory_space<hbm>>
      %dma_wait3A_392 = arith.constant 0 : i32
      %dma_wait3A_393 = tpu.memref_slice %arg8[%dma_wait3A_385, %dma_wait3A_392] : memref<6x120xi32, #tpu.memory_space<vmem>> -> memref<1x120xi32, #tpu.memory_space<vmem>>
      %dma_wait3A_394 = tpu.memref_squeeze %dma_wait3A_393 : memref<1x120xi32, #tpu.memory_space<vmem>> -> memref<120xi32, #tpu.memory_space<vmem>>
      %dma_wait3A_395 = arith.constant 0 : i32
      %dma_wait3A_396 = tpu.memref_slice %arg4[%arg1, %add3A_372, %dma_wait3A_395] : memref<16x85x120xi32, #tpu.memory_space<hbm>> -> memref<1x1x120xi32, #tpu.memory_space<hbm>>
      %dma_wait3A_397 = tpu.memref_squeeze %dma_wait3A_396 : memref<1x1x120xi32, #tpu.memory_space<hbm>> -> memref<120xi32, #tpu.memory_space<hbm>>
      tpu.wait_dma2 semaphore(%arg25 : memref<!tpu.dma_semaphore, #tpu.memory_space<semaphore_mem>>) src(%dma_wait3A_397 : memref<120xi32, #tpu.memory_space<hbm>>) dst(%dma_wait3A_394 : memref<120xi32, #tpu.memory_space<vmem>>)
      %dma_start3A_398 = arith.constant 2 : i32
      %dma_start3A_399 = arith.constant 2 : i32
      %dma_start3A_400 = arith.constant 0 : i32
      %dma_start3A_401 = arith.constant 0 : i32
      %dma_start3A_402 = tpu.memref_slice %arg9[%dma_start3A_398, %dma_start3A_400, %dma_start3A_401] : memref<3x120x128xf32, #tpu.memory_space<vmem>> -> memref<1x120x128xf32, #tpu.memory_space<vmem>>
      %dma_start3A_403 = tpu.memref_squeeze %dma_start3A_402 : memref<1x120x128xf32, #tpu.memory_space<vmem>> -> memref<120x128xf32, #tpu.memory_space<vmem>>
      %dma_start3A_404 = arith.constant 0 : i32
      %dma_start3A_405 = tpu.memref_slice %arg8[%dma_start3A_399, %dma_start3A_404] : memref<6x120xi32, #tpu.memory_space<vmem>> -> memref<1x120xi32, #tpu.memory_space<vmem>>
      %dma_start3A_406 = tpu.memref_squeeze %dma_start3A_405 : memref<1x120xi32, #tpu.memory_space<vmem>> -> memref<120xi32, #tpu.memory_space<vmem>>
      %dma_start3A_407 = arith.constant 0 : i32
      %dma_start3A_408 = arith.constant 0 : i32
      %dma_start3A_409 = tpu.memref_slice %arg10[%dma_start3A_407, %dma_start3A_408] : memref<10112x128xf32, #tpu.memory_space<vmem_shared>> -> memref<10112x128xf32, #tpu.memory_space<vmem_shared>>
      tpu.enqueue_indirect_dma source(%dma_start3A_403 : memref<120x128xf32, #tpu.memory_space<vmem>>) target(%dma_start3A_409 : memref<10112x128xf32, #tpu.memory_space<vmem_shared>>) offsets(%dma_start3A_406 : memref<120xi32, #tpu.memory_space<vmem>>) semaphore(%arg16 : memref<!tpu.dma_semaphore, #tpu.memory_space<semaphore_mem>>) {add = true}
      %dma_wait3A_410 = arith.constant 0 : i32
      %dma_wait3A_411 = arith.constant 0 : i32
      %dma_wait3A_412 = arith.constant 0 : i32
      %dma_wait3A_413 = arith.constant 0 : i32
      %dma_wait3A_414 = tpu.memref_slice %arg9[%dma_wait3A_410, %dma_wait3A_412, %dma_wait3A_413] : memref<3x120x128xf32, #tpu.memory_space<vmem>> -> memref<1x120x128xf32, #tpu.memory_space<vmem>>
      %dma_wait3A_415 = tpu.memref_squeeze %dma_wait3A_414 : memref<1x120x128xf32, #tpu.memory_space<vmem>> -> memref<120x128xf32, #tpu.memory_space<vmem>>
      %dma_wait3A_416 = arith.constant 0 : i32
      %dma_wait3A_417 = tpu.memref_slice %arg8[%dma_wait3A_411, %dma_wait3A_416] : memref<6x120xi32, #tpu.memory_space<vmem>> -> memref<1x120xi32, #tpu.memory_space<vmem>>
      %dma_wait3A_418 = tpu.memref_squeeze %dma_wait3A_417 : memref<1x120xi32, #tpu.memory_space<vmem>> -> memref<120xi32, #tpu.memory_space<vmem>>
      %dma_wait3A_419 = arith.constant 0 : i32
      %dma_wait3A_420 = arith.constant 0 : i32
      %dma_wait3A_421 = tpu.memref_slice %arg10[%dma_wait3A_419, %dma_wait3A_420] : memref<10112x128xf32, #tpu.memory_space<vmem_shared>> -> memref<10112x128xf32, #tpu.memory_space<vmem_shared>>
      tpu.wait_indirect_dma semaphore(%arg15 : memref<!tpu.dma_semaphore, #tpu.memory_space<semaphore_mem>>) src(%dma_wait3A_415 : memref<120x128xf32, #tpu.memory_space<vmem>>) dst(%dma_wait3A_421 : memref<10112x128xf32, #tpu.memory_space<vmem_shared>>)
      %le3A_422 = arith.constant 79 : i32
      %le3A_423 = arith.cmpi sle, %add3A_372, %le3A_422 : i32
      %convert_element_type3A_424 = arith.extui %le3A_423 : i1 to i32
      %cond3A_425 = arith.constant 0 : i32
      %cond3A_426 = arith.cmpi ne, %convert_element_type3A_424, %cond3A_425 : i32
      scf.if %cond3A_426 {
        %add3A_692 = arith.constant 5 : i32
        %add3A_693 = arith.addi %add3A_372, %add3A_692 : i32
        %dma_start3A_694 = arith.constant 1 : i32
        %dma_start3A_695 = arith.constant 0 : i32
        %dma_start3A_696 = tpu.memref_slice %arg7[%dma_start3A_694, %dma_start3A_695] : memref<6x120xi32, #tpu.memory_space<vmem>> -> memref<1x120xi32, #tpu.memory_space<vmem>>
        %dma_start3A_697 = tpu.memref_squeeze %dma_start3A_696 : memref<1x120xi32, #tpu.memory_space<vmem>> -> memref<120xi32, #tpu.memory_space<vmem>>
        %dma_start3A_698 = arith.constant 0 : i32
        %dma_start3A_699 = tpu.memref_slice %arg3[%arg0, %arg1, %add3A_693, %dma_start3A_698] : memref<2x16x85x120xi32, #tpu.memory_space<hbm>> -> memref<1x1x1x120xi32, #tpu.memory_space<hbm>>
        %dma_start3A_700 = tpu.memref_squeeze %dma_start3A_699 : memref<1x1x1x120xi32, #tpu.memory_space<hbm>> -> memref<120xi32, #tpu.memory_space<hbm>>
        %dma_start3A_701 = arith.constant 0 : i32
        %dma_start3A_702 = tpu.memref_slice %arg7[%dma_start3A_694, %dma_start3A_701] : memref<6x120xi32, #tpu.memory_space<vmem>> -> memref<1x120xi32, #tpu.memory_space<vmem>>
        %dma_start3A_703 = tpu.memref_squeeze %dma_start3A_702 : memref<1x120xi32, #tpu.memory_space<vmem>> -> memref<120xi32, #tpu.memory_space<vmem>>
        %dma_start3A_704 = arith.constant 0 : i32
        %dma_start3A_705 = tpu.memref_slice %arg3[%arg0, %arg1, %add3A_693, %dma_start3A_704] : memref<2x16x85x120xi32, #tpu.memory_space<hbm>> -> memref<1x1x1x120xi32, #tpu.memory_space<hbm>>
        %dma_start3A_706 = tpu.memref_squeeze %dma_start3A_705 : memref<1x1x1x120xi32, #tpu.memory_space<hbm>> -> memref<120xi32, #tpu.memory_space<hbm>>
        tpu.enqueue_dma source(%dma_start3A_706 : memref<120xi32, #tpu.memory_space<hbm>>) target(%dma_start3A_703 : memref<120xi32, #tpu.memory_space<vmem>>) target_semaphore(%arg18 : memref<!tpu.dma_semaphore, #tpu.memory_space<semaphore_mem>>)
        %dma_start3A_707 = arith.constant 1 : i32
        %dma_start3A_708 = arith.constant 0 : i32
        %dma_start3A_709 = tpu.memref_slice %arg8[%dma_start3A_707, %dma_start3A_708] : memref<6x120xi32, #tpu.memory_space<vmem>> -> memref<1x120xi32, #tpu.memory_space<vmem>>
        %dma_start3A_710 = tpu.memref_squeeze %dma_start3A_709 : memref<1x120xi32, #tpu.memory_space<vmem>> -> memref<120xi32, #tpu.memory_space<vmem>>
        %dma_start3A_711 = arith.constant 0 : i32
        %dma_start3A_712 = tpu.memref_slice %arg4[%arg1, %add3A_693, %dma_start3A_711] : memref<16x85x120xi32, #tpu.memory_space<hbm>> -> memref<1x1x120xi32, #tpu.memory_space<hbm>>
        %dma_start3A_713 = tpu.memref_squeeze %dma_start3A_712 : memref<1x1x120xi32, #tpu.memory_space<hbm>> -> memref<120xi32, #tpu.memory_space<hbm>>
        %dma_start3A_714 = arith.constant 0 : i32
        %dma_start3A_715 = tpu.memref_slice %arg8[%dma_start3A_707, %dma_start3A_714] : memref<6x120xi32, #tpu.memory_space<vmem>> -> memref<1x120xi32, #tpu.memory_space<vmem>>
        %dma_start3A_716 = tpu.memref_squeeze %dma_start3A_715 : memref<1x120xi32, #tpu.memory_space<vmem>> -> memref<120xi32, #tpu.memory_space<vmem>>
        %dma_start3A_717 = arith.constant 0 : i32
        %dma_start3A_718 = tpu.memref_slice %arg4[%arg1, %add3A_693, %dma_start3A_717] : memref<16x85x120xi32, #tpu.memory_space<hbm>> -> memref<1x1x120xi32, #tpu.memory_space<hbm>>
        %dma_start3A_719 = tpu.memref_squeeze %dma_start3A_718 : memref<1x1x120xi32, #tpu.memory_space<hbm>> -> memref<120xi32, #tpu.memory_space<hbm>>
        tpu.enqueue_dma source(%dma_start3A_719 : memref<120xi32, #tpu.memory_space<hbm>>) target(%dma_start3A_716 : memref<120xi32, #tpu.memory_space<vmem>>) target_semaphore(%arg24 : memref<!tpu.dma_semaphore, #tpu.memory_space<semaphore_mem>>)
      } else {
      }
      %le3A_427 = arith.constant 82 : i32
      %le3A_428 = arith.cmpi sle, %add3A_372, %le3A_427 : i32
      %convert_element_type3A_429 = arith.extui %le3A_428 : i1 to i32
      %cond3A_430 = arith.constant 0 : i32
      %cond3A_431 = arith.cmpi ne, %convert_element_type3A_429, %cond3A_430 : i32
      scf.if %cond3A_431 {
        %add3A_692 = arith.constant 2 : i32
        %add3A_693 = arith.addi %add3A_372, %add3A_692 : i32
        %dma_wait3A_694 = arith.constant 4 : i32
        %dma_wait3A_695 = arith.constant 0 : i32
        %dma_wait3A_696 = tpu.memref_slice %arg7[%dma_wait3A_694, %dma_wait3A_695] : memref<6x120xi32, #tpu.memory_space<vmem>> -> memref<1x120xi32, #tpu.memory_space<vmem>>
        %dma_wait3A_697 = tpu.memref_squeeze %dma_wait3A_696 : memref<1x120xi32, #tpu.memory_space<vmem>> -> memref<120xi32, #tpu.memory_space<vmem>>
        %dma_wait3A_698 = arith.constant 0 : i32
        %dma_wait3A_699 = tpu.memref_slice %arg3[%arg0, %arg1, %add3A_693, %dma_wait3A_698] : memref<2x16x85x120xi32, #tpu.memory_space<hbm>> -> memref<1x1x1x120xi32, #tpu.memory_space<hbm>>
        %dma_wait3A_700 = tpu.memref_squeeze %dma_wait3A_699 : memref<1x1x1x120xi32, #tpu.memory_space<hbm>> -> memref<120xi32, #tpu.memory_space<hbm>>
        %dma_wait3A_701 = arith.constant 0 : i32
        %dma_wait3A_702 = tpu.memref_slice %arg7[%dma_wait3A_694, %dma_wait3A_701] : memref<6x120xi32, #tpu.memory_space<vmem>> -> memref<1x120xi32, #tpu.memory_space<vmem>>
        %dma_wait3A_703 = tpu.memref_squeeze %dma_wait3A_702 : memref<1x120xi32, #tpu.memory_space<vmem>> -> memref<120xi32, #tpu.memory_space<vmem>>
        %dma_wait3A_704 = arith.constant 0 : i32
        %dma_wait3A_705 = tpu.memref_slice %arg3[%arg0, %arg1, %add3A_693, %dma_wait3A_704] : memref<2x16x85x120xi32, #tpu.memory_space<hbm>> -> memref<1x1x1x120xi32, #tpu.memory_space<hbm>>
        %dma_wait3A_706 = tpu.memref_squeeze %dma_wait3A_705 : memref<1x1x1x120xi32, #tpu.memory_space<hbm>> -> memref<120xi32, #tpu.memory_space<hbm>>
        tpu.wait_dma2 semaphore(%arg21 : memref<!tpu.dma_semaphore, #tpu.memory_space<semaphore_mem>>) src(%dma_wait3A_706 : memref<120xi32, #tpu.memory_space<hbm>>) dst(%dma_wait3A_703 : memref<120xi32, #tpu.memory_space<vmem>>)
        %dma_start3A_707 = arith.constant 4 : i32
        %dma_start3A_708 = arith.constant 1 : i32
        %dma_start3A_709 = arith.constant 0 : i32
        %dma_start3A_710 = arith.constant 0 : i32
        %dma_start3A_711 = tpu.memref_slice %arg9[%dma_start3A_708, %dma_start3A_709, %dma_start3A_710] : memref<3x120x128xf32, #tpu.memory_space<vmem>> -> memref<1x120x128xf32, #tpu.memory_space<vmem>>
        %dma_start3A_712 = tpu.memref_squeeze %dma_start3A_711 : memref<1x120x128xf32, #tpu.memory_space<vmem>> -> memref<120x128xf32, #tpu.memory_space<vmem>>
        %dma_start3A_713 = arith.constant 0 : i32
        %dma_start3A_714 = tpu.memref_slice %arg7[%dma_start3A_707, %dma_start3A_713] : memref<6x120xi32, #tpu.memory_space<vmem>> -> memref<1x120xi32, #tpu.memory_space<vmem>>
        %dma_start3A_715 = tpu.memref_squeeze %dma_start3A_714 : memref<1x120xi32, #tpu.memory_space<vmem>> -> memref<120xi32, #tpu.memory_space<vmem>>
        %dma_start3A_716 = arith.constant 0 : i32
        %dma_start3A_717 = arith.constant 0 : i32
        %dma_start3A_718 = tpu.memref_slice %arg2[%dma_start3A_716, %dma_start3A_717] : memref<20016x128xf32, #tpu.memory_space<hbm>> -> memref<20016x128xf32, #tpu.memory_space<hbm>>
        tpu.enqueue_indirect_dma source(%dma_start3A_718 : memref<20016x128xf32, #tpu.memory_space<hbm>>) target(%dma_start3A_712 : memref<120x128xf32, #tpu.memory_space<vmem>>) offsets(%dma_start3A_715 : memref<120xi32, #tpu.memory_space<vmem>>) semaphore(%arg12 : memref<!tpu.dma_semaphore, #tpu.memory_space<semaphore_mem>>)
      } else {
      }
      %mul3A_432 = arith.constant 6 : i32
      %mul3A_433 = arith.muli %scan3A_305, %mul3A_432 : i32
      %add3A_434 = arith.constant 1 : i32
      %add3A_435 = arith.addi %add3A_434, %mul3A_433 : i32
      %add3A_436 = arith.constant 2 : i32
      %add3A_437 = arith.addi %add3A_435, %add3A_436 : i32
      %dma_wait3A_438 = arith.constant 0 : i32
      %dma_wait3A_439 = arith.constant 0 : i32
      %dma_wait3A_440 = arith.constant 0 : i32
      %dma_wait3A_441 = arith.constant 0 : i32
      %dma_wait3A_442 = tpu.memref_slice %arg9[%dma_wait3A_439, %dma_wait3A_440, %dma_wait3A_441] : memref<3x120x128xf32, #tpu.memory_space<vmem>> -> memref<1x120x128xf32, #tpu.memory_space<vmem>>
      %dma_wait3A_443 = tpu.memref_squeeze %dma_wait3A_442 : memref<1x120x128xf32, #tpu.memory_space<vmem>> -> memref<120x128xf32, #tpu.memory_space<vmem>>
      %dma_wait3A_444 = arith.constant 0 : i32
      %dma_wait3A_445 = tpu.memref_slice %arg7[%dma_wait3A_438, %dma_wait3A_444] : memref<6x120xi32, #tpu.memory_space<vmem>> -> memref<1x120xi32, #tpu.memory_space<vmem>>
      %dma_wait3A_446 = tpu.memref_squeeze %dma_wait3A_445 : memref<1x120xi32, #tpu.memory_space<vmem>> -> memref<120xi32, #tpu.memory_space<vmem>>
      %dma_wait3A_447 = arith.constant 0 : i32
      %dma_wait3A_448 = arith.constant 0 : i32
      %dma_wait3A_449 = tpu.memref_slice %arg2[%dma_wait3A_447, %dma_wait3A_448] : memref<20016x128xf32, #tpu.memory_space<hbm>> -> memref<20016x128xf32, #tpu.memory_space<hbm>>
      tpu.wait_indirect_dma semaphore(%arg11 : memref<!tpu.dma_semaphore, #tpu.memory_space<semaphore_mem>>) src(%dma_wait3A_449 : memref<20016x128xf32, #tpu.memory_space<hbm>>) dst(%dma_wait3A_443 : memref<120x128xf32, #tpu.memory_space<vmem>>)
      %dma_wait3A_450 = arith.constant 3 : i32
      %dma_wait3A_451 = arith.constant 0 : i32
      %dma_wait3A_452 = tpu.memref_slice %arg8[%dma_wait3A_450, %dma_wait3A_451] : memref<6x120xi32, #tpu.memory_space<vmem>> -> memref<1x120xi32, #tpu.memory_space<vmem>>
      %dma_wait3A_453 = tpu.memref_squeeze %dma_wait3A_452 : memref<1x120xi32, #tpu.memory_space<vmem>> -> memref<120xi32, #tpu.memory_space<vmem>>
      %dma_wait3A_454 = arith.constant 0 : i32
      %dma_wait3A_455 = tpu.memref_slice %arg4[%arg1, %add3A_437, %dma_wait3A_454] : memref<16x85x120xi32, #tpu.memory_space<hbm>> -> memref<1x1x120xi32, #tpu.memory_space<hbm>>
      %dma_wait3A_456 = tpu.memref_squeeze %dma_wait3A_455 : memref<1x1x120xi32, #tpu.memory_space<hbm>> -> memref<120xi32, #tpu.memory_space<hbm>>
      %dma_wait3A_457 = arith.constant 0 : i32
      %dma_wait3A_458 = tpu.memref_slice %arg8[%dma_wait3A_450, %dma_wait3A_457] : memref<6x120xi32, #tpu.memory_space<vmem>> -> memref<1x120xi32, #tpu.memory_space<vmem>>
      %dma_wait3A_459 = tpu.memref_squeeze %dma_wait3A_458 : memref<1x120xi32, #tpu.memory_space<vmem>> -> memref<120xi32, #tpu.memory_space<vmem>>
      %dma_wait3A_460 = arith.constant 0 : i32
      %dma_wait3A_461 = tpu.memref_slice %arg4[%arg1, %add3A_437, %dma_wait3A_460] : memref<16x85x120xi32, #tpu.memory_space<hbm>> -> memref<1x1x120xi32, #tpu.memory_space<hbm>>
      %dma_wait3A_462 = tpu.memref_squeeze %dma_wait3A_461 : memref<1x1x120xi32, #tpu.memory_space<hbm>> -> memref<120xi32, #tpu.memory_space<hbm>>
      tpu.wait_dma2 semaphore(%arg26 : memref<!tpu.dma_semaphore, #tpu.memory_space<semaphore_mem>>) src(%dma_wait3A_462 : memref<120xi32, #tpu.memory_space<hbm>>) dst(%dma_wait3A_459 : memref<120xi32, #tpu.memory_space<vmem>>)
      %dma_start3A_463 = arith.constant 0 : i32
      %dma_start3A_464 = arith.constant 3 : i32
      %dma_start3A_465 = arith.constant 0 : i32
      %dma_start3A_466 = arith.constant 0 : i32
      %dma_start3A_467 = tpu.memref_slice %arg9[%dma_start3A_463, %dma_start3A_465, %dma_start3A_466] : memref<3x120x128xf32, #tpu.memory_space<vmem>> -> memref<1x120x128xf32, #tpu.memory_space<vmem>>
      %dma_start3A_468 = tpu.memref_squeeze %dma_start3A_467 : memref<1x120x128xf32, #tpu.memory_space<vmem>> -> memref<120x128xf32, #tpu.memory_space<vmem>>
      %dma_start3A_469 = arith.constant 0 : i32
      %dma_start3A_470 = tpu.memref_slice %arg8[%dma_start3A_464, %dma_start3A_469] : memref<6x120xi32, #tpu.memory_space<vmem>> -> memref<1x120xi32, #tpu.memory_space<vmem>>
      %dma_start3A_471 = tpu.memref_squeeze %dma_start3A_470 : memref<1x120xi32, #tpu.memory_space<vmem>> -> memref<120xi32, #tpu.memory_space<vmem>>
      %dma_start3A_472 = arith.constant 0 : i32
      %dma_start3A_473 = arith.constant 0 : i32
      %dma_start3A_474 = tpu.memref_slice %arg10[%dma_start3A_472, %dma_start3A_473] : memref<10112x128xf32, #tpu.memory_space<vmem_shared>> -> memref<10112x128xf32, #tpu.memory_space<vmem_shared>>
      tpu.enqueue_indirect_dma source(%dma_start3A_468 : memref<120x128xf32, #tpu.memory_space<vmem>>) target(%dma_start3A_474 : memref<10112x128xf32, #tpu.memory_space<vmem_shared>>) offsets(%dma_start3A_471 : memref<120xi32, #tpu.memory_space<vmem>>) semaphore(%arg14 : memref<!tpu.dma_semaphore, #tpu.memory_space<semaphore_mem>>) {add = true}
      %dma_wait3A_475 = arith.constant 0 : i32
      %dma_wait3A_476 = arith.constant 0 : i32
      %dma_wait3A_477 = arith.constant 0 : i32
      %dma_wait3A_478 = arith.constant 0 : i32
      %dma_wait3A_479 = tpu.memref_slice %arg9[%dma_wait3A_475, %dma_wait3A_477, %dma_wait3A_478] : memref<3x120x128xf32, #tpu.memory_space<vmem>> -> memref<1x120x128xf32, #tpu.memory_space<vmem>>
      %dma_wait3A_480 = tpu.memref_squeeze %dma_wait3A_479 : memref<1x120x128xf32, #tpu.memory_space<vmem>> -> memref<120x128xf32, #tpu.memory_space<vmem>>
      %dma_wait3A_481 = arith.constant 0 : i32
      %dma_wait3A_482 = tpu.memref_slice %arg8[%dma_wait3A_476, %dma_wait3A_481] : memref<6x120xi32, #tpu.memory_space<vmem>> -> memref<1x120xi32, #tpu.memory_space<vmem>>
      %dma_wait3A_483 = tpu.memref_squeeze %dma_wait3A_482 : memref<1x120xi32, #tpu.memory_space<vmem>> -> memref<120xi32, #tpu.memory_space<vmem>>
      %dma_wait3A_484 = arith.constant 0 : i32
      %dma_wait3A_485 = arith.constant 0 : i32
      %dma_wait3A_486 = tpu.memref_slice %arg10[%dma_wait3A_484, %dma_wait3A_485] : memref<10112x128xf32, #tpu.memory_space<vmem_shared>> -> memref<10112x128xf32, #tpu.memory_space<vmem_shared>>
      tpu.wait_indirect_dma semaphore(%arg16 : memref<!tpu.dma_semaphore, #tpu.memory_space<semaphore_mem>>) src(%dma_wait3A_480 : memref<120x128xf32, #tpu.memory_space<vmem>>) dst(%dma_wait3A_486 : memref<10112x128xf32, #tpu.memory_space<vmem_shared>>)
      %le3A_487 = arith.constant 79 : i32
      %le3A_488 = arith.cmpi sle, %add3A_437, %le3A_487 : i32
      %convert_element_type3A_489 = arith.extui %le3A_488 : i1 to i32
      %cond3A_490 = arith.constant 0 : i32
      %cond3A_491 = arith.cmpi ne, %convert_element_type3A_489, %cond3A_490 : i32
      scf.if %cond3A_491 {
        %add3A_692 = arith.constant 5 : i32
        %add3A_693 = arith.addi %add3A_437, %add3A_692 : i32
        %dma_start3A_694 = arith.constant 2 : i32
        %dma_start3A_695 = arith.constant 0 : i32
        %dma_start3A_696 = tpu.memref_slice %arg7[%dma_start3A_694, %dma_start3A_695] : memref<6x120xi32, #tpu.memory_space<vmem>> -> memref<1x120xi32, #tpu.memory_space<vmem>>
        %dma_start3A_697 = tpu.memref_squeeze %dma_start3A_696 : memref<1x120xi32, #tpu.memory_space<vmem>> -> memref<120xi32, #tpu.memory_space<vmem>>
        %dma_start3A_698 = arith.constant 0 : i32
        %dma_start3A_699 = tpu.memref_slice %arg3[%arg0, %arg1, %add3A_693, %dma_start3A_698] : memref<2x16x85x120xi32, #tpu.memory_space<hbm>> -> memref<1x1x1x120xi32, #tpu.memory_space<hbm>>
        %dma_start3A_700 = tpu.memref_squeeze %dma_start3A_699 : memref<1x1x1x120xi32, #tpu.memory_space<hbm>> -> memref<120xi32, #tpu.memory_space<hbm>>
        %dma_start3A_701 = arith.constant 0 : i32
        %dma_start3A_702 = tpu.memref_slice %arg7[%dma_start3A_694, %dma_start3A_701] : memref<6x120xi32, #tpu.memory_space<vmem>> -> memref<1x120xi32, #tpu.memory_space<vmem>>
        %dma_start3A_703 = tpu.memref_squeeze %dma_start3A_702 : memref<1x120xi32, #tpu.memory_space<vmem>> -> memref<120xi32, #tpu.memory_space<vmem>>
        %dma_start3A_704 = arith.constant 0 : i32
        %dma_start3A_705 = tpu.memref_slice %arg3[%arg0, %arg1, %add3A_693, %dma_start3A_704] : memref<2x16x85x120xi32, #tpu.memory_space<hbm>> -> memref<1x1x1x120xi32, #tpu.memory_space<hbm>>
        %dma_start3A_706 = tpu.memref_squeeze %dma_start3A_705 : memref<1x1x1x120xi32, #tpu.memory_space<hbm>> -> memref<120xi32, #tpu.memory_space<hbm>>
        tpu.enqueue_dma source(%dma_start3A_706 : memref<120xi32, #tpu.memory_space<hbm>>) target(%dma_start3A_703 : memref<120xi32, #tpu.memory_space<vmem>>) target_semaphore(%arg19 : memref<!tpu.dma_semaphore, #tpu.memory_space<semaphore_mem>>)
        %dma_start3A_707 = arith.constant 2 : i32
        %dma_start3A_708 = arith.constant 0 : i32
        %dma_start3A_709 = tpu.memref_slice %arg8[%dma_start3A_707, %dma_start3A_708] : memref<6x120xi32, #tpu.memory_space<vmem>> -> memref<1x120xi32, #tpu.memory_space<vmem>>
        %dma_start3A_710 = tpu.memref_squeeze %dma_start3A_709 : memref<1x120xi32, #tpu.memory_space<vmem>> -> memref<120xi32, #tpu.memory_space<vmem>>
        %dma_start3A_711 = arith.constant 0 : i32
        %dma_start3A_712 = tpu.memref_slice %arg4[%arg1, %add3A_693, %dma_start3A_711] : memref<16x85x120xi32, #tpu.memory_space<hbm>> -> memref<1x1x120xi32, #tpu.memory_space<hbm>>
        %dma_start3A_713 = tpu.memref_squeeze %dma_start3A_712 : memref<1x1x120xi32, #tpu.memory_space<hbm>> -> memref<120xi32, #tpu.memory_space<hbm>>
        %dma_start3A_714 = arith.constant 0 : i32
        %dma_start3A_715 = tpu.memref_slice %arg8[%dma_start3A_707, %dma_start3A_714] : memref<6x120xi32, #tpu.memory_space<vmem>> -> memref<1x120xi32, #tpu.memory_space<vmem>>
        %dma_start3A_716 = tpu.memref_squeeze %dma_start3A_715 : memref<1x120xi32, #tpu.memory_space<vmem>> -> memref<120xi32, #tpu.memory_space<vmem>>
        %dma_start3A_717 = arith.constant 0 : i32
        %dma_start3A_718 = tpu.memref_slice %arg4[%arg1, %add3A_693, %dma_start3A_717] : memref<16x85x120xi32, #tpu.memory_space<hbm>> -> memref<1x1x120xi32, #tpu.memory_space<hbm>>
        %dma_start3A_719 = tpu.memref_squeeze %dma_start3A_718 : memref<1x1x120xi32, #tpu.memory_space<hbm>> -> memref<120xi32, #tpu.memory_space<hbm>>
        tpu.enqueue_dma source(%dma_start3A_719 : memref<120xi32, #tpu.memory_space<hbm>>) target(%dma_start3A_716 : memref<120xi32, #tpu.memory_space<vmem>>) target_semaphore(%arg25 : memref<!tpu.dma_semaphore, #tpu.memory_space<semaphore_mem>>)
      } else {
      }
      %le3A_492 = arith.constant 82 : i32
      %le3A_493 = arith.cmpi sle, %add3A_437, %le3A_492 : i32
      %convert_element_type3A_494 = arith.extui %le3A_493 : i1 to i32
      %cond3A_495 = arith.constant 0 : i32
      %cond3A_496 = arith.cmpi ne, %convert_element_type3A_494, %cond3A_495 : i32
      scf.if %cond3A_496 {
        %add3A_692 = arith.constant 2 : i32
        %add3A_693 = arith.addi %add3A_437, %add3A_692 : i32
        %dma_wait3A_694 = arith.constant 5 : i32
        %dma_wait3A_695 = arith.constant 0 : i32
        %dma_wait3A_696 = tpu.memref_slice %arg7[%dma_wait3A_694, %dma_wait3A_695] : memref<6x120xi32, #tpu.memory_space<vmem>> -> memref<1x120xi32, #tpu.memory_space<vmem>>
        %dma_wait3A_697 = tpu.memref_squeeze %dma_wait3A_696 : memref<1x120xi32, #tpu.memory_space<vmem>> -> memref<120xi32, #tpu.memory_space<vmem>>
        %dma_wait3A_698 = arith.constant 0 : i32
        %dma_wait3A_699 = tpu.memref_slice %arg3[%arg0, %arg1, %add3A_693, %dma_wait3A_698] : memref<2x16x85x120xi32, #tpu.memory_space<hbm>> -> memref<1x1x1x120xi32, #tpu.memory_space<hbm>>
        %dma_wait3A_700 = tpu.memref_squeeze %dma_wait3A_699 : memref<1x1x1x120xi32, #tpu.memory_space<hbm>> -> memref<120xi32, #tpu.memory_space<hbm>>
        %dma_wait3A_701 = arith.constant 0 : i32
        %dma_wait3A_702 = tpu.memref_slice %arg7[%dma_wait3A_694, %dma_wait3A_701] : memref<6x120xi32, #tpu.memory_space<vmem>> -> memref<1x120xi32, #tpu.memory_space<vmem>>
        %dma_wait3A_703 = tpu.memref_squeeze %dma_wait3A_702 : memref<1x120xi32, #tpu.memory_space<vmem>> -> memref<120xi32, #tpu.memory_space<vmem>>
        %dma_wait3A_704 = arith.constant 0 : i32
        %dma_wait3A_705 = tpu.memref_slice %arg3[%arg0, %arg1, %add3A_693, %dma_wait3A_704] : memref<2x16x85x120xi32, #tpu.memory_space<hbm>> -> memref<1x1x1x120xi32, #tpu.memory_space<hbm>>
        %dma_wait3A_706 = tpu.memref_squeeze %dma_wait3A_705 : memref<1x1x1x120xi32, #tpu.memory_space<hbm>> -> memref<120xi32, #tpu.memory_space<hbm>>
        tpu.wait_dma2 semaphore(%arg22 : memref<!tpu.dma_semaphore, #tpu.memory_space<semaphore_mem>>) src(%dma_wait3A_706 : memref<120xi32, #tpu.memory_space<hbm>>) dst(%dma_wait3A_703 : memref<120xi32, #tpu.memory_space<vmem>>)
        %dma_start3A_707 = arith.constant 5 : i32
        %dma_start3A_708 = arith.constant 2 : i32
        %dma_start3A_709 = arith.constant 0 : i32
        %dma_start3A_710 = arith.constant 0 : i32
        %dma_start3A_711 = tpu.memref_slice %arg9[%dma_start3A_708, %dma_start3A_709, %dma_start3A_710] : memref<3x120x128xf32, #tpu.memory_space<vmem>> -> memref<1x120x128xf32, #tpu.memory_space<vmem>>
        %dma_start3A_712 = tpu.memref_squeeze %dma_start3A_711 : memref<1x120x128xf32, #tpu.memory_space<vmem>> -> memref<120x128xf32, #tpu.memory_space<vmem>>
        %dma_start3A_713 = arith.constant 0 : i32
        %dma_start3A_714 = tpu.memref_slice %arg7[%dma_start3A_707, %dma_start3A_713] : memref<6x120xi32, #tpu.memory_space<vmem>> -> memref<1x120xi32, #tpu.memory_space<vmem>>
        %dma_start3A_715 = tpu.memref_squeeze %dma_start3A_714 : memref<1x120xi32, #tpu.memory_space<vmem>> -> memref<120xi32, #tpu.memory_space<vmem>>
        %dma_start3A_716 = arith.constant 0 : i32
        %dma_start3A_717 = arith.constant 0 : i32
        %dma_start3A_718 = tpu.memref_slice %arg2[%dma_start3A_716, %dma_start3A_717] : memref<20016x128xf32, #tpu.memory_space<hbm>> -> memref<20016x128xf32, #tpu.memory_space<hbm>>
        tpu.enqueue_indirect_dma source(%dma_start3A_718 : memref<20016x128xf32, #tpu.memory_space<hbm>>) target(%dma_start3A_712 : memref<120x128xf32, #tpu.memory_space<vmem>>) offsets(%dma_start3A_715 : memref<120xi32, #tpu.memory_space<vmem>>) semaphore(%arg13 : memref<!tpu.dma_semaphore, #tpu.memory_space<semaphore_mem>>)
      } else {
      }
      %mul3A_497 = arith.constant 6 : i32
      %mul3A_498 = arith.muli %scan3A_305, %mul3A_497 : i32
      %add3A_499 = arith.constant 1 : i32
      %add3A_500 = arith.addi %add3A_499, %mul3A_498 : i32
      %add3A_501 = arith.constant 3 : i32
      %add3A_502 = arith.addi %add3A_500, %add3A_501 : i32
      %dma_wait3A_503 = arith.constant 0 : i32
      %dma_wait3A_504 = arith.constant 1 : i32
      %dma_wait3A_505 = arith.constant 0 : i32
      %dma_wait3A_506 = arith.constant 0 : i32
      %dma_wait3A_507 = tpu.memref_slice %arg9[%dma_wait3A_504, %dma_wait3A_505, %dma_wait3A_506] : memref<3x120x128xf32, #tpu.memory_space<vmem>> -> memref<1x120x128xf32, #tpu.memory_space<vmem>>
      %dma_wait3A_508 = tpu.memref_squeeze %dma_wait3A_507 : memref<1x120x128xf32, #tpu.memory_space<vmem>> -> memref<120x128xf32, #tpu.memory_space<vmem>>
      %dma_wait3A_509 = arith.constant 0 : i32
      %dma_wait3A_510 = tpu.memref_slice %arg7[%dma_wait3A_503, %dma_wait3A_509] : memref<6x120xi32, #tpu.memory_space<vmem>> -> memref<1x120xi32, #tpu.memory_space<vmem>>
      %dma_wait3A_511 = tpu.memref_squeeze %dma_wait3A_510 : memref<1x120xi32, #tpu.memory_space<vmem>> -> memref<120xi32, #tpu.memory_space<vmem>>
      %dma_wait3A_512 = arith.constant 0 : i32
      %dma_wait3A_513 = arith.constant 0 : i32
      %dma_wait3A_514 = tpu.memref_slice %arg2[%dma_wait3A_512, %dma_wait3A_513] : memref<20016x128xf32, #tpu.memory_space<hbm>> -> memref<20016x128xf32, #tpu.memory_space<hbm>>
      tpu.wait_indirect_dma semaphore(%arg12 : memref<!tpu.dma_semaphore, #tpu.memory_space<semaphore_mem>>) src(%dma_wait3A_514 : memref<20016x128xf32, #tpu.memory_space<hbm>>) dst(%dma_wait3A_508 : memref<120x128xf32, #tpu.memory_space<vmem>>)
      %dma_wait3A_515 = arith.constant 4 : i32
      %dma_wait3A_516 = arith.constant 0 : i32
      %dma_wait3A_517 = tpu.memref_slice %arg8[%dma_wait3A_515, %dma_wait3A_516] : memref<6x120xi32, #tpu.memory_space<vmem>> -> memref<1x120xi32, #tpu.memory_space<vmem>>
      %dma_wait3A_518 = tpu.memref_squeeze %dma_wait3A_517 : memref<1x120xi32, #tpu.memory_space<vmem>> -> memref<120xi32, #tpu.memory_space<vmem>>
      %dma_wait3A_519 = arith.constant 0 : i32
      %dma_wait3A_520 = tpu.memref_slice %arg4[%arg1, %add3A_502, %dma_wait3A_519] : memref<16x85x120xi32, #tpu.memory_space<hbm>> -> memref<1x1x120xi32, #tpu.memory_space<hbm>>
      %dma_wait3A_521 = tpu.memref_squeeze %dma_wait3A_520 : memref<1x1x120xi32, #tpu.memory_space<hbm>> -> memref<120xi32, #tpu.memory_space<hbm>>
      %dma_wait3A_522 = arith.constant 0 : i32
      %dma_wait3A_523 = tpu.memref_slice %arg8[%dma_wait3A_515, %dma_wait3A_522] : memref<6x120xi32, #tpu.memory_space<vmem>> -> memref<1x120xi32, #tpu.memory_space<vmem>>
      %dma_wait3A_524 = tpu.memref_squeeze %dma_wait3A_523 : memref<1x120xi32, #tpu.memory_space<vmem>> -> memref<120xi32, #tpu.memory_space<vmem>>
      %dma_wait3A_525 = arith.constant 0 : i32
      %dma_wait3A_526 = tpu.memref_slice %arg4[%arg1, %add3A_502, %dma_wait3A_525] : memref<16x85x120xi32, #tpu.memory_space<hbm>> -> memref<1x1x120xi32, #tpu.memory_space<hbm>>
      %dma_wait3A_527 = tpu.memref_squeeze %dma_wait3A_526 : memref<1x1x120xi32, #tpu.memory_space<hbm>> -> memref<120xi32, #tpu.memory_space<hbm>>
      tpu.wait_dma2 semaphore(%arg27 : memref<!tpu.dma_semaphore, #tpu.memory_space<semaphore_mem>>) src(%dma_wait3A_527 : memref<120xi32, #tpu.memory_space<hbm>>) dst(%dma_wait3A_524 : memref<120xi32, #tpu.memory_space<vmem>>)
      %dma_start3A_528 = arith.constant 1 : i32
      %dma_start3A_529 = arith.constant 4 : i32
      %dma_start3A_530 = arith.constant 0 : i32
      %dma_start3A_531 = arith.constant 0 : i32
      %dma_start3A_532 = tpu.memref_slice %arg9[%dma_start3A_528, %dma_start3A_530, %dma_start3A_531] : memref<3x120x128xf32, #tpu.memory_space<vmem>> -> memref<1x120x128xf32, #tpu.memory_space<vmem>>
      %dma_start3A_533 = tpu.memref_squeeze %dma_start3A_532 : memref<1x120x128xf32, #tpu.memory_space<vmem>> -> memref<120x128xf32, #tpu.memory_space<vmem>>
      %dma_start3A_534 = arith.constant 0 : i32
      %dma_start3A_535 = tpu.memref_slice %arg8[%dma_start3A_529, %dma_start3A_534] : memref<6x120xi32, #tpu.memory_space<vmem>> -> memref<1x120xi32, #tpu.memory_space<vmem>>
      %dma_start3A_536 = tpu.memref_squeeze %dma_start3A_535 : memref<1x120xi32, #tpu.memory_space<vmem>> -> memref<120xi32, #tpu.memory_space<vmem>>
      %dma_start3A_537 = arith.constant 0 : i32
      %dma_start3A_538 = arith.constant 0 : i32
      %dma_start3A_539 = tpu.memref_slice %arg10[%dma_start3A_537, %dma_start3A_538] : memref<10112x128xf32, #tpu.memory_space<vmem_shared>> -> memref<10112x128xf32, #tpu.memory_space<vmem_shared>>
      tpu.enqueue_indirect_dma source(%dma_start3A_533 : memref<120x128xf32, #tpu.memory_space<vmem>>) target(%dma_start3A_539 : memref<10112x128xf32, #tpu.memory_space<vmem_shared>>) offsets(%dma_start3A_536 : memref<120xi32, #tpu.memory_space<vmem>>) semaphore(%arg15 : memref<!tpu.dma_semaphore, #tpu.memory_space<semaphore_mem>>) {add = true}
      %dma_wait3A_540 = arith.constant 0 : i32
      %dma_wait3A_541 = arith.constant 0 : i32
      %dma_wait3A_542 = arith.constant 0 : i32
      %dma_wait3A_543 = arith.constant 0 : i32
      %dma_wait3A_544 = tpu.memref_slice %arg9[%dma_wait3A_540, %dma_wait3A_542, %dma_wait3A_543] : memref<3x120x128xf32, #tpu.memory_space<vmem>> -> memref<1x120x128xf32, #tpu.memory_space<vmem>>
      %dma_wait3A_545 = tpu.memref_squeeze %dma_wait3A_544 : memref<1x120x128xf32, #tpu.memory_space<vmem>> -> memref<120x128xf32, #tpu.memory_space<vmem>>
      %dma_wait3A_546 = arith.constant 0 : i32
      %dma_wait3A_547 = tpu.memref_slice %arg8[%dma_wait3A_541, %dma_wait3A_546] : memref<6x120xi32, #tpu.memory_space<vmem>> -> memref<1x120xi32, #tpu.memory_space<vmem>>
      %dma_wait3A_548 = tpu.memref_squeeze %dma_wait3A_547 : memref<1x120xi32, #tpu.memory_space<vmem>> -> memref<120xi32, #tpu.memory_space<vmem>>
      %dma_wait3A_549 = arith.constant 0 : i32
      %dma_wait3A_550 = arith.constant 0 : i32
      %dma_wait3A_551 = tpu.memref_slice %arg10[%dma_wait3A_549, %dma_wait3A_550] : memref<10112x128xf32, #tpu.memory_space<vmem_shared>> -> memref<10112x128xf32, #tpu.memory_space<vmem_shared>>
      tpu.wait_indirect_dma semaphore(%arg14 : memref<!tpu.dma_semaphore, #tpu.memory_space<semaphore_mem>>) src(%dma_wait3A_545 : memref<120x128xf32, #tpu.memory_space<vmem>>) dst(%dma_wait3A_551 : memref<10112x128xf32, #tpu.memory_space<vmem_shared>>)
      %le3A_552 = arith.constant 79 : i32
      %le3A_553 = arith.cmpi sle, %add3A_502, %le3A_552 : i32
      %convert_element_type3A_554 = arith.extui %le3A_553 : i1 to i32
      %cond3A_555 = arith.constant 0 : i32
      %cond3A_556 = arith.cmpi ne, %convert_element_type3A_554, %cond3A_555 : i32
      scf.if %cond3A_556 {
        %add3A_692 = arith.constant 5 : i32
        %add3A_693 = arith.addi %add3A_502, %add3A_692 : i32
        %dma_start3A_694 = arith.constant 3 : i32
        %dma_start3A_695 = arith.constant 0 : i32
        %dma_start3A_696 = tpu.memref_slice %arg7[%dma_start3A_694, %dma_start3A_695] : memref<6x120xi32, #tpu.memory_space<vmem>> -> memref<1x120xi32, #tpu.memory_space<vmem>>
        %dma_start3A_697 = tpu.memref_squeeze %dma_start3A_696 : memref<1x120xi32, #tpu.memory_space<vmem>> -> memref<120xi32, #tpu.memory_space<vmem>>
        %dma_start3A_698 = arith.constant 0 : i32
        %dma_start3A_699 = tpu.memref_slice %arg3[%arg0, %arg1, %add3A_693, %dma_start3A_698] : memref<2x16x85x120xi32, #tpu.memory_space<hbm>> -> memref<1x1x1x120xi32, #tpu.memory_space<hbm>>
        %dma_start3A_700 = tpu.memref_squeeze %dma_start3A_699 : memref<1x1x1x120xi32, #tpu.memory_space<hbm>> -> memref<120xi32, #tpu.memory_space<hbm>>
        %dma_start3A_701 = arith.constant 0 : i32
        %dma_start3A_702 = tpu.memref_slice %arg7[%dma_start3A_694, %dma_start3A_701] : memref<6x120xi32, #tpu.memory_space<vmem>> -> memref<1x120xi32, #tpu.memory_space<vmem>>
        %dma_start3A_703 = tpu.memref_squeeze %dma_start3A_702 : memref<1x120xi32, #tpu.memory_space<vmem>> -> memref<120xi32, #tpu.memory_space<vmem>>
        %dma_start3A_704 = arith.constant 0 : i32
        %dma_start3A_705 = tpu.memref_slice %arg3[%arg0, %arg1, %add3A_693, %dma_start3A_704] : memref<2x16x85x120xi32, #tpu.memory_space<hbm>> -> memref<1x1x1x120xi32, #tpu.memory_space<hbm>>
        %dma_start3A_706 = tpu.memref_squeeze %dma_start3A_705 : memref<1x1x1x120xi32, #tpu.memory_space<hbm>> -> memref<120xi32, #tpu.memory_space<hbm>>
        tpu.enqueue_dma source(%dma_start3A_706 : memref<120xi32, #tpu.memory_space<hbm>>) target(%dma_start3A_703 : memref<120xi32, #tpu.memory_space<vmem>>) target_semaphore(%arg20 : memref<!tpu.dma_semaphore, #tpu.memory_space<semaphore_mem>>)
        %dma_start3A_707 = arith.constant 3 : i32
        %dma_start3A_708 = arith.constant 0 : i32
        %dma_start3A_709 = tpu.memref_slice %arg8[%dma_start3A_707, %dma_start3A_708] : memref<6x120xi32, #tpu.memory_space<vmem>> -> memref<1x120xi32, #tpu.memory_space<vmem>>
        %dma_start3A_710 = tpu.memref_squeeze %dma_start3A_709 : memref<1x120xi32, #tpu.memory_space<vmem>> -> memref<120xi32, #tpu.memory_space<vmem>>
        %dma_start3A_711 = arith.constant 0 : i32
        %dma_start3A_712 = tpu.memref_slice %arg4[%arg1, %add3A_693, %dma_start3A_711] : memref<16x85x120xi32, #tpu.memory_space<hbm>> -> memref<1x1x120xi32, #tpu.memory_space<hbm>>
        %dma_start3A_713 = tpu.memref_squeeze %dma_start3A_712 : memref<1x1x120xi32, #tpu.memory_space<hbm>> -> memref<120xi32, #tpu.memory_space<hbm>>
        %dma_start3A_714 = arith.constant 0 : i32
        %dma_start3A_715 = tpu.memref_slice %arg8[%dma_start3A_707, %dma_start3A_714] : memref<6x120xi32, #tpu.memory_space<vmem>> -> memref<1x120xi32, #tpu.memory_space<vmem>>
        %dma_start3A_716 = tpu.memref_squeeze %dma_start3A_715 : memref<1x120xi32, #tpu.memory_space<vmem>> -> memref<120xi32, #tpu.memory_space<vmem>>
        %dma_start3A_717 = arith.constant 0 : i32
        %dma_start3A_718 = tpu.memref_slice %arg4[%arg1, %add3A_693, %dma_start3A_717] : memref<16x85x120xi32, #tpu.memory_space<hbm>> -> memref<1x1x120xi32, #tpu.memory_space<hbm>>
        %dma_start3A_719 = tpu.memref_squeeze %dma_start3A_718 : memref<1x1x120xi32, #tpu.memory_space<hbm>> -> memref<120xi32, #tpu.memory_space<hbm>>
        tpu.enqueue_dma source(%dma_start3A_719 : memref<120xi32, #tpu.memory_space<hbm>>) target(%dma_start3A_716 : memref<120xi32, #tpu.memory_space<vmem>>) target_semaphore(%arg26 : memref<!tpu.dma_semaphore, #tpu.memory_space<semaphore_mem>>)
      } else {
      }
      %le3A_557 = arith.constant 82 : i32
      %le3A_558 = arith.cmpi sle, %add3A_502, %le3A_557 : i32
      %convert_element_type3A_559 = arith.extui %le3A_558 : i1 to i32
      %cond3A_560 = arith.constant 0 : i32
      %cond3A_561 = arith.cmpi ne, %convert_element_type3A_559, %cond3A_560 : i32
      scf.if %cond3A_561 {
        %add3A_692 = arith.constant 2 : i32
        %add3A_693 = arith.addi %add3A_502, %add3A_692 : i32
        %dma_wait3A_694 = arith.constant 0 : i32
        %dma_wait3A_695 = arith.constant 0 : i32
        %dma_wait3A_696 = tpu.memref_slice %arg7[%dma_wait3A_694, %dma_wait3A_695] : memref<6x120xi32, #tpu.memory_space<vmem>> -> memref<1x120xi32, #tpu.memory_space<vmem>>
        %dma_wait3A_697 = tpu.memref_squeeze %dma_wait3A_696 : memref<1x120xi32, #tpu.memory_space<vmem>> -> memref<120xi32, #tpu.memory_space<vmem>>
        %dma_wait3A_698 = arith.constant 0 : i32
        %dma_wait3A_699 = tpu.memref_slice %arg3[%arg0, %arg1, %add3A_693, %dma_wait3A_698] : memref<2x16x85x120xi32, #tpu.memory_space<hbm>> -> memref<1x1x1x120xi32, #tpu.memory_space<hbm>>
        %dma_wait3A_700 = tpu.memref_squeeze %dma_wait3A_699 : memref<1x1x1x120xi32, #tpu.memory_space<hbm>> -> memref<120xi32, #tpu.memory_space<hbm>>
        %dma_wait3A_701 = arith.constant 0 : i32
        %dma_wait3A_702 = tpu.memref_slice %arg7[%dma_wait3A_694, %dma_wait3A_701] : memref<6x120xi32, #tpu.memory_space<vmem>> -> memref<1x120xi32, #tpu.memory_space<vmem>>
        %dma_wait3A_703 = tpu.memref_squeeze %dma_wait3A_702 : memref<1x120xi32, #tpu.memory_space<vmem>> -> memref<120xi32, #tpu.memory_space<vmem>>
        %dma_wait3A_704 = arith.constant 0 : i32
        %dma_wait3A_705 = tpu.memref_slice %arg3[%arg0, %arg1, %add3A_693, %dma_wait3A_704] : memref<2x16x85x120xi32, #tpu.memory_space<hbm>> -> memref<1x1x1x120xi32, #tpu.memory_space<hbm>>
        %dma_wait3A_706 = tpu.memref_squeeze %dma_wait3A_705 : memref<1x1x1x120xi32, #tpu.memory_space<hbm>> -> memref<120xi32, #tpu.memory_space<hbm>>
        tpu.wait_dma2 semaphore(%arg17 : memref<!tpu.dma_semaphore, #tpu.memory_space<semaphore_mem>>) src(%dma_wait3A_706 : memref<120xi32, #tpu.memory_space<hbm>>) dst(%dma_wait3A_703 : memref<120xi32, #tpu.memory_space<vmem>>)
        %dma_start3A_707 = arith.constant 0 : i32
        %dma_start3A_708 = arith.constant 0 : i32
        %dma_start3A_709 = arith.constant 0 : i32
        %dma_start3A_710 = arith.constant 0 : i32
        %dma_start3A_711 = tpu.memref_slice %arg9[%dma_start3A_708, %dma_start3A_709, %dma_start3A_710] : memref<3x120x128xf32, #tpu.memory_space<vmem>> -> memref<1x120x128xf32, #tpu.memory_space<vmem>>
        %dma_start3A_712 = tpu.memref_squeeze %dma_start3A_711 : memref<1x120x128xf32, #tpu.memory_space<vmem>> -> memref<120x128xf32, #tpu.memory_space<vmem>>
        %dma_start3A_713 = arith.constant 0 : i32
        %dma_start3A_714 = tpu.memref_slice %arg7[%dma_start3A_707, %dma_start3A_713] : memref<6x120xi32, #tpu.memory_space<vmem>> -> memref<1x120xi32, #tpu.memory_space<vmem>>
        %dma_start3A_715 = tpu.memref_squeeze %dma_start3A_714 : memref<1x120xi32, #tpu.memory_space<vmem>> -> memref<120xi32, #tpu.memory_space<vmem>>
        %dma_start3A_716 = arith.constant 0 : i32
        %dma_start3A_717 = arith.constant 0 : i32
        %dma_start3A_718 = tpu.memref_slice %arg2[%dma_start3A_716, %dma_start3A_717] : memref<20016x128xf32, #tpu.memory_space<hbm>> -> memref<20016x128xf32, #tpu.memory_space<hbm>>
        tpu.enqueue_indirect_dma source(%dma_start3A_718 : memref<20016x128xf32, #tpu.memory_space<hbm>>) target(%dma_start3A_712 : memref<120x128xf32, #tpu.memory_space<vmem>>) offsets(%dma_start3A_715 : memref<120xi32, #tpu.memory_space<vmem>>) semaphore(%arg11 : memref<!tpu.dma_semaphore, #tpu.memory_space<semaphore_mem>>)
      } else {
      }
      %mul3A_562 = arith.constant 6 : i32
      %mul3A_563 = arith.muli %scan3A_305, %mul3A_562 : i32
      %add3A_564 = arith.constant 1 : i32
      %add3A_565 = arith.addi %add3A_564, %mul3A_563 : i32
      %add3A_566 = arith.constant 4 : i32
      %add3A_567 = arith.addi %add3A_565, %add3A_566 : i32
      %dma_wait3A_568 = arith.constant 0 : i32
      %dma_wait3A_569 = arith.constant 2 : i32
      %dma_wait3A_570 = arith.constant 0 : i32
      %dma_wait3A_571 = arith.constant 0 : i32
      %dma_wait3A_572 = tpu.memref_slice %arg9[%dma_wait3A_569, %dma_wait3A_570, %dma_wait3A_571] : memref<3x120x128xf32, #tpu.memory_space<vmem>> -> memref<1x120x128xf32, #tpu.memory_space<vmem>>
      %dma_wait3A_573 = tpu.memref_squeeze %dma_wait3A_572 : memref<1x120x128xf32, #tpu.memory_space<vmem>> -> memref<120x128xf32, #tpu.memory_space<vmem>>
      %dma_wait3A_574 = arith.constant 0 : i32
      %dma_wait3A_575 = tpu.memref_slice %arg7[%dma_wait3A_568, %dma_wait3A_574] : memref<6x120xi32, #tpu.memory_space<vmem>> -> memref<1x120xi32, #tpu.memory_space<vmem>>
      %dma_wait3A_576 = tpu.memref_squeeze %dma_wait3A_575 : memref<1x120xi32, #tpu.memory_space<vmem>> -> memref<120xi32, #tpu.memory_space<vmem>>
      %dma_wait3A_577 = arith.constant 0 : i32
      %dma_wait3A_578 = arith.constant 0 : i32
      %dma_wait3A_579 = tpu.memref_slice %arg2[%dma_wait3A_577, %dma_wait3A_578] : memref<20016x128xf32, #tpu.memory_space<hbm>> -> memref<20016x128xf32, #tpu.memory_space<hbm>>
      tpu.wait_indirect_dma semaphore(%arg13 : memref<!tpu.dma_semaphore, #tpu.memory_space<semaphore_mem>>) src(%dma_wait3A_579 : memref<20016x128xf32, #tpu.memory_space<hbm>>) dst(%dma_wait3A_573 : memref<120x128xf32, #tpu.memory_space<vmem>>)
      %dma_wait3A_580 = arith.constant 5 : i32
      %dma_wait3A_581 = arith.constant 0 : i32
      %dma_wait3A_582 = tpu.memref_slice %arg8[%dma_wait3A_580, %dma_wait3A_581] : memref<6x120xi32, #tpu.memory_space<vmem>> -> memref<1x120xi32, #tpu.memory_space<vmem>>
      %dma_wait3A_583 = tpu.memref_squeeze %dma_wait3A_582 : memref<1x120xi32, #tpu.memory_space<vmem>> -> memref<120xi32, #tpu.memory_space<vmem>>
      %dma_wait3A_584 = arith.constant 0 : i32
      %dma_wait3A_585 = tpu.memref_slice %arg4[%arg1, %add3A_567, %dma_wait3A_584] : memref<16x85x120xi32, #tpu.memory_space<hbm>> -> memref<1x1x120xi32, #tpu.memory_space<hbm>>
      %dma_wait3A_586 = tpu.memref_squeeze %dma_wait3A_585 : memref<1x1x120xi32, #tpu.memory_space<hbm>> -> memref<120xi32, #tpu.memory_space<hbm>>
      %dma_wait3A_587 = arith.constant 0 : i32
      %dma_wait3A_588 = tpu.memref_slice %arg8[%dma_wait3A_580, %dma_wait3A_587] : memref<6x120xi32, #tpu.memory_space<vmem>> -> memref<1x120xi32, #tpu.memory_space<vmem>>
      %dma_wait3A_589 = tpu.memref_squeeze %dma_wait3A_588 : memref<1x120xi32, #tpu.memory_space<vmem>> -> memref<120xi32, #tpu.memory_space<vmem>>
      %dma_wait3A_590 = arith.constant 0 : i32
      %dma_wait3A_591 = tpu.memref_slice %arg4[%arg1, %add3A_567, %dma_wait3A_590] : memref<16x85x120xi32, #tpu.memory_space<hbm>> -> memref<1x1x120xi32, #tpu.memory_space<hbm>>
      %dma_wait3A_592 = tpu.memref_squeeze %dma_wait3A_591 : memref<1x1x120xi32, #tpu.memory_space<hbm>> -> memref<120xi32, #tpu.memory_space<hbm>>
      tpu.wait_dma2 semaphore(%arg28 : memref<!tpu.dma_semaphore, #tpu.memory_space<semaphore_mem>>) src(%dma_wait3A_592 : memref<120xi32, #tpu.memory_space<hbm>>) dst(%dma_wait3A_589 : memref<120xi32, #tpu.memory_space<vmem>>)
      %dma_start3A_593 = arith.constant 2 : i32
      %dma_start3A_594 = arith.constant 5 : i32
      %dma_start3A_595 = arith.constant 0 : i32
      %dma_start3A_596 = arith.constant 0 : i32
      %dma_start3A_597 = tpu.memref_slice %arg9[%dma_start3A_593, %dma_start3A_595, %dma_start3A_596] : memref<3x120x128xf32, #tpu.memory_space<vmem>> -> memref<1x120x128xf32, #tpu.memory_space<vmem>>
      %dma_start3A_598 = tpu.memref_squeeze %dma_start3A_597 : memref<1x120x128xf32, #tpu.memory_space<vmem>> -> memref<120x128xf32, #tpu.memory_space<vmem>>
      %dma_start3A_599 = arith.constant 0 : i32
      %dma_start3A_600 = tpu.memref_slice %arg8[%dma_start3A_594, %dma_start3A_599] : memref<6x120xi32, #tpu.memory_space<vmem>> -> memref<1x120xi32, #tpu.memory_space<vmem>>
      %dma_start3A_601 = tpu.memref_squeeze %dma_start3A_600 : memref<1x120xi32, #tpu.memory_space<vmem>> -> memref<120xi32, #tpu.memory_space<vmem>>
      %dma_start3A_602 = arith.constant 0 : i32
      %dma_start3A_603 = arith.constant 0 : i32
      %dma_start3A_604 = tpu.memref_slice %arg10[%dma_start3A_602, %dma_start3A_603] : memref<10112x128xf32, #tpu.memory_space<vmem_shared>> -> memref<10112x128xf32, #tpu.memory_space<vmem_shared>>
      tpu.enqueue_indirect_dma source(%dma_start3A_598 : memref<120x128xf32, #tpu.memory_space<vmem>>) target(%dma_start3A_604 : memref<10112x128xf32, #tpu.memory_space<vmem_shared>>) offsets(%dma_start3A_601 : memref<120xi32, #tpu.memory_space<vmem>>) semaphore(%arg16 : memref<!tpu.dma_semaphore, #tpu.memory_space<semaphore_mem>>) {add = true}
      %dma_wait3A_605 = arith.constant 0 : i32
      %dma_wait3A_606 = arith.constant 0 : i32
      %dma_wait3A_607 = arith.constant 0 : i32
      %dma_wait3A_608 = arith.constant 0 : i32
      %dma_wait3A_609 = tpu.memref_slice %arg9[%dma_wait3A_605, %dma_wait3A_607, %dma_wait3A_608] : memref<3x120x128xf32, #tpu.memory_space<vmem>> -> memref<1x120x128xf32, #tpu.memory_space<vmem>>
      %dma_wait3A_610 = tpu.memref_squeeze %dma_wait3A_609 : memref<1x120x128xf32, #tpu.memory_space<vmem>> -> memref<120x128xf32, #tpu.memory_space<vmem>>
      %dma_wait3A_611 = arith.constant 0 : i32
      %dma_wait3A_612 = tpu.memref_slice %arg8[%dma_wait3A_606, %dma_wait3A_611] : memref<6x120xi32, #tpu.memory_space<vmem>> -> memref<1x120xi32, #tpu.memory_space<vmem>>
      %dma_wait3A_613 = tpu.memref_squeeze %dma_wait3A_612 : memref<1x120xi32, #tpu.memory_space<vmem>> -> memref<120xi32, #tpu.memory_space<vmem>>
      %dma_wait3A_614 = arith.constant 0 : i32
      %dma_wait3A_615 = arith.constant 0 : i32
      %dma_wait3A_616 = tpu.memref_slice %arg10[%dma_wait3A_614, %dma_wait3A_615] : memref<10112x128xf32, #tpu.memory_space<vmem_shared>> -> memref<10112x128xf32, #tpu.memory_space<vmem_shared>>
      tpu.wait_indirect_dma semaphore(%arg15 : memref<!tpu.dma_semaphore, #tpu.memory_space<semaphore_mem>>) src(%dma_wait3A_610 : memref<120x128xf32, #tpu.memory_space<vmem>>) dst(%dma_wait3A_616 : memref<10112x128xf32, #tpu.memory_space<vmem_shared>>)
      %le3A_617 = arith.constant 79 : i32
      %le3A_618 = arith.cmpi sle, %add3A_567, %le3A_617 : i32
      %convert_element_type3A_619 = arith.extui %le3A_618 : i1 to i32
      %cond3A_620 = arith.constant 0 : i32
      %cond3A_621 = arith.cmpi ne, %convert_element_type3A_619, %cond3A_620 : i32
      scf.if %cond3A_621 {
        %add3A_692 = arith.constant 5 : i32
        %add3A_693 = arith.addi %add3A_567, %add3A_692 : i32
        %dma_start3A_694 = arith.constant 4 : i32
        %dma_start3A_695 = arith.constant 0 : i32
        %dma_start3A_696 = tpu.memref_slice %arg7[%dma_start3A_694, %dma_start3A_695] : memref<6x120xi32, #tpu.memory_space<vmem>> -> memref<1x120xi32, #tpu.memory_space<vmem>>
        %dma_start3A_697 = tpu.memref_squeeze %dma_start3A_696 : memref<1x120xi32, #tpu.memory_space<vmem>> -> memref<120xi32, #tpu.memory_space<vmem>>
        %dma_start3A_698 = arith.constant 0 : i32
        %dma_start3A_699 = tpu.memref_slice %arg3[%arg0, %arg1, %add3A_693, %dma_start3A_698] : memref<2x16x85x120xi32, #tpu.memory_space<hbm>> -> memref<1x1x1x120xi32, #tpu.memory_space<hbm>>
        %dma_start3A_700 = tpu.memref_squeeze %dma_start3A_699 : memref<1x1x1x120xi32, #tpu.memory_space<hbm>> -> memref<120xi32, #tpu.memory_space<hbm>>
        %dma_start3A_701 = arith.constant 0 : i32
        %dma_start3A_702 = tpu.memref_slice %arg7[%dma_start3A_694, %dma_start3A_701] : memref<6x120xi32, #tpu.memory_space<vmem>> -> memref<1x120xi32, #tpu.memory_space<vmem>>
        %dma_start3A_703 = tpu.memref_squeeze %dma_start3A_702 : memref<1x120xi32, #tpu.memory_space<vmem>> -> memref<120xi32, #tpu.memory_space<vmem>>
        %dma_start3A_704 = arith.constant 0 : i32
        %dma_start3A_705 = tpu.memref_slice %arg3[%arg0, %arg1, %add3A_693, %dma_start3A_704] : memref<2x16x85x120xi32, #tpu.memory_space<hbm>> -> memref<1x1x1x120xi32, #tpu.memory_space<hbm>>
        %dma_start3A_706 = tpu.memref_squeeze %dma_start3A_705 : memref<1x1x1x120xi32, #tpu.memory_space<hbm>> -> memref<120xi32, #tpu.memory_space<hbm>>
        tpu.enqueue_dma source(%dma_start3A_706 : memref<120xi32, #tpu.memory_space<hbm>>) target(%dma_start3A_703 : memref<120xi32, #tpu.memory_space<vmem>>) target_semaphore(%arg21 : memref<!tpu.dma_semaphore, #tpu.memory_space<semaphore_mem>>)
        %dma_start3A_707 = arith.constant 4 : i32
        %dma_start3A_708 = arith.constant 0 : i32
        %dma_start3A_709 = tpu.memref_slice %arg8[%dma_start3A_707, %dma_start3A_708] : memref<6x120xi32, #tpu.memory_space<vmem>> -> memref<1x120xi32, #tpu.memory_space<vmem>>
        %dma_start3A_710 = tpu.memref_squeeze %dma_start3A_709 : memref<1x120xi32, #tpu.memory_space<vmem>> -> memref<120xi32, #tpu.memory_space<vmem>>
        %dma_start3A_711 = arith.constant 0 : i32
        %dma_start3A_712 = tpu.memref_slice %arg4[%arg1, %add3A_693, %dma_start3A_711] : memref<16x85x120xi32, #tpu.memory_space<hbm>> -> memref<1x1x120xi32, #tpu.memory_space<hbm>>
        %dma_start3A_713 = tpu.memref_squeeze %dma_start3A_712 : memref<1x1x120xi32, #tpu.memory_space<hbm>> -> memref<120xi32, #tpu.memory_space<hbm>>
        %dma_start3A_714 = arith.constant 0 : i32
        %dma_start3A_715 = tpu.memref_slice %arg8[%dma_start3A_707, %dma_start3A_714] : memref<6x120xi32, #tpu.memory_space<vmem>> -> memref<1x120xi32, #tpu.memory_space<vmem>>
        %dma_start3A_716 = tpu.memref_squeeze %dma_start3A_715 : memref<1x120xi32, #tpu.memory_space<vmem>> -> memref<120xi32, #tpu.memory_space<vmem>>
        %dma_start3A_717 = arith.constant 0 : i32
        %dma_start3A_718 = tpu.memref_slice %arg4[%arg1, %add3A_693, %dma_start3A_717] : memref<16x85x120xi32, #tpu.memory_space<hbm>> -> memref<1x1x120xi32, #tpu.memory_space<hbm>>
        %dma_start3A_719 = tpu.memref_squeeze %dma_start3A_718 : memref<1x1x120xi32, #tpu.memory_space<hbm>> -> memref<120xi32, #tpu.memory_space<hbm>>
        tpu.enqueue_dma source(%dma_start3A_719 : memref<120xi32, #tpu.memory_space<hbm>>) target(%dma_start3A_716 : memref<120xi32, #tpu.memory_space<vmem>>) target_semaphore(%arg27 : memref<!tpu.dma_semaphore, #tpu.memory_space<semaphore_mem>>)
      } else {
      }
      %le3A_622 = arith.constant 82 : i32
      %le3A_623 = arith.cmpi sle, %add3A_567, %le3A_622 : i32
      %convert_element_type3A_624 = arith.extui %le3A_623 : i1 to i32
      %cond3A_625 = arith.constant 0 : i32
      %cond3A_626 = arith.cmpi ne, %convert_element_type3A_624, %cond3A_625 : i32
      scf.if %cond3A_626 {
        %add3A_692 = arith.constant 2 : i32
        %add3A_693 = arith.addi %add3A_567, %add3A_692 : i32
        %dma_wait3A_694 = arith.constant 1 : i32
        %dma_wait3A_695 = arith.constant 0 : i32
        %dma_wait3A_696 = tpu.memref_slice %arg7[%dma_wait3A_694, %dma_wait3A_695] : memref<6x120xi32, #tpu.memory_space<vmem>> -> memref<1x120xi32, #tpu.memory_space<vmem>>
        %dma_wait3A_697 = tpu.memref_squeeze %dma_wait3A_696 : memref<1x120xi32, #tpu.memory_space<vmem>> -> memref<120xi32, #tpu.memory_space<vmem>>
        %dma_wait3A_698 = arith.constant 0 : i32
        %dma_wait3A_699 = tpu.memref_slice %arg3[%arg0, %arg1, %add3A_693, %dma_wait3A_698] : memref<2x16x85x120xi32, #tpu.memory_space<hbm>> -> memref<1x1x1x120xi32, #tpu.memory_space<hbm>>
        %dma_wait3A_700 = tpu.memref_squeeze %dma_wait3A_699 : memref<1x1x1x120xi32, #tpu.memory_space<hbm>> -> memref<120xi32, #tpu.memory_space<hbm>>
        %dma_wait3A_701 = arith.constant 0 : i32
        %dma_wait3A_702 = tpu.memref_slice %arg7[%dma_wait3A_694, %dma_wait3A_701] : memref<6x120xi32, #tpu.memory_space<vmem>> -> memref<1x120xi32, #tpu.memory_space<vmem>>
        %dma_wait3A_703 = tpu.memref_squeeze %dma_wait3A_702 : memref<1x120xi32, #tpu.memory_space<vmem>> -> memref<120xi32, #tpu.memory_space<vmem>>
        %dma_wait3A_704 = arith.constant 0 : i32
        %dma_wait3A_705 = tpu.memref_slice %arg3[%arg0, %arg1, %add3A_693, %dma_wait3A_704] : memref<2x16x85x120xi32, #tpu.memory_space<hbm>> -> memref<1x1x1x120xi32, #tpu.memory_space<hbm>>
        %dma_wait3A_706 = tpu.memref_squeeze %dma_wait3A_705 : memref<1x1x1x120xi32, #tpu.memory_space<hbm>> -> memref<120xi32, #tpu.memory_space<hbm>>
        tpu.wait_dma2 semaphore(%arg18 : memref<!tpu.dma_semaphore, #tpu.memory_space<semaphore_mem>>) src(%dma_wait3A_706 : memref<120xi32, #tpu.memory_space<hbm>>) dst(%dma_wait3A_703 : memref<120xi32, #tpu.memory_space<vmem>>)
        %dma_start3A_707 = arith.constant 1 : i32
        %dma_start3A_708 = arith.constant 1 : i32
        %dma_start3A_709 = arith.constant 0 : i32
        %dma_start3A_710 = arith.constant 0 : i32
        %dma_start3A_711 = tpu.memref_slice %arg9[%dma_start3A_708, %dma_start3A_709, %dma_start3A_710] : memref<3x120x128xf32, #tpu.memory_space<vmem>> -> memref<1x120x128xf32, #tpu.memory_space<vmem>>
        %dma_start3A_712 = tpu.memref_squeeze %dma_start3A_711 : memref<1x120x128xf32, #tpu.memory_space<vmem>> -> memref<120x128xf32, #tpu.memory_space<vmem>>
        %dma_start3A_713 = arith.constant 0 : i32
        %dma_start3A_714 = tpu.memref_slice %arg7[%dma_start3A_707, %dma_start3A_713] : memref<6x120xi32, #tpu.memory_space<vmem>> -> memref<1x120xi32, #tpu.memory_space<vmem>>
        %dma_start3A_715 = tpu.memref_squeeze %dma_start3A_714 : memref<1x120xi32, #tpu.memory_space<vmem>> -> memref<120xi32, #tpu.memory_space<vmem>>
        %dma_start3A_716 = arith.constant 0 : i32
        %dma_start3A_717 = arith.constant 0 : i32
        %dma_start3A_718 = tpu.memref_slice %arg2[%dma_start3A_716, %dma_start3A_717] : memref<20016x128xf32, #tpu.memory_space<hbm>> -> memref<20016x128xf32, #tpu.memory_space<hbm>>
        tpu.enqueue_indirect_dma source(%dma_start3A_718 : memref<20016x128xf32, #tpu.memory_space<hbm>>) target(%dma_start3A_712 : memref<120x128xf32, #tpu.memory_space<vmem>>) offsets(%dma_start3A_715 : memref<120xi32, #tpu.memory_space<vmem>>) semaphore(%arg12 : memref<!tpu.dma_semaphore, #tpu.memory_space<semaphore_mem>>)
      } else {
      }
      %mul3A_627 = arith.constant 6 : i32
      %mul3A_628 = arith.muli %scan3A_305, %mul3A_627 : i32
      %add3A_629 = arith.constant 1 : i32
      %add3A_630 = arith.addi %add3A_629, %mul3A_628 : i32
      %add3A_631 = arith.constant 5 : i32
      %add3A_632 = arith.addi %add3A_630, %add3A_631 : i32
      %dma_wait3A_633 = arith.constant 0 : i32
      %dma_wait3A_634 = arith.constant 0 : i32
      %dma_wait3A_635 = arith.constant 0 : i32
      %dma_wait3A_636 = arith.constant 0 : i32
      %dma_wait3A_637 = tpu.memref_slice %arg9[%dma_wait3A_634, %dma_wait3A_635, %dma_wait3A_636] : memref<3x120x128xf32, #tpu.memory_space<vmem>> -> memref<1x120x128xf32, #tpu.memory_space<vmem>>
      %dma_wait3A_638 = tpu.memref_squeeze %dma_wait3A_637 : memref<1x120x128xf32, #tpu.memory_space<vmem>> -> memref<120x128xf32, #tpu.memory_space<vmem>>
      %dma_wait3A_639 = arith.constant 0 : i32
      %dma_wait3A_640 = tpu.memref_slice %arg7[%dma_wait3A_633, %dma_wait3A_639] : memref<6x120xi32, #tpu.memory_space<vmem>> -> memref<1x120xi32, #tpu.memory_space<vmem>>
      %dma_wait3A_641 = tpu.memref_squeeze %dma_wait3A_640 : memref<1x120xi32, #tpu.memory_space<vmem>> -> memref<120xi32, #tpu.memory_space<vmem>>
      %dma_wait3A_642 = arith.constant 0 : i32
      %dma_wait3A_643 = arith.constant 0 : i32
      %dma_wait3A_644 = tpu.memref_slice %arg2[%dma_wait3A_642, %dma_wait3A_643] : memref<20016x128xf32, #tpu.memory_space<hbm>> -> memref<20016x128xf32, #tpu.memory_space<hbm>>
      tpu.wait_indirect_dma semaphore(%arg11 : memref<!tpu.dma_semaphore, #tpu.memory_space<semaphore_mem>>) src(%dma_wait3A_644 : memref<20016x128xf32, #tpu.memory_space<hbm>>) dst(%dma_wait3A_638 : memref<120x128xf32, #tpu.memory_space<vmem>>)
      %dma_wait3A_645 = arith.constant 0 : i32
      %dma_wait3A_646 = arith.constant 0 : i32
      %dma_wait3A_647 = tpu.memref_slice %arg8[%dma_wait3A_645, %dma_wait3A_646] : memref<6x120xi32, #tpu.memory_space<vmem>> -> memref<1x120xi32, #tpu.memory_space<vmem>>
      %dma_wait3A_648 = tpu.memref_squeeze %dma_wait3A_647 : memref<1x120xi32, #tpu.memory_space<vmem>> -> memref<120xi32, #tpu.memory_space<vmem>>
      %dma_wait3A_649 = arith.constant 0 : i32
      %dma_wait3A_650 = tpu.memref_slice %arg4[%arg1, %add3A_632, %dma_wait3A_649] : memref<16x85x120xi32, #tpu.memory_space<hbm>> -> memref<1x1x120xi32, #tpu.memory_space<hbm>>
      %dma_wait3A_651 = tpu.memref_squeeze %dma_wait3A_650 : memref<1x1x120xi32, #tpu.memory_space<hbm>> -> memref<120xi32, #tpu.memory_space<hbm>>
      %dma_wait3A_652 = arith.constant 0 : i32
      %dma_wait3A_653 = tpu.memref_slice %arg8[%dma_wait3A_645, %dma_wait3A_652] : memref<6x120xi32, #tpu.memory_space<vmem>> -> memref<1x120xi32, #tpu.memory_space<vmem>>
      %dma_wait3A_654 = tpu.memref_squeeze %dma_wait3A_653 : memref<1x120xi32, #tpu.memory_space<vmem>> -> memref<120xi32, #tpu.memory_space<vmem>>
      %dma_wait3A_655 = arith.constant 0 : i32
      %dma_wait3A_656 = tpu.memref_slice %arg4[%arg1, %add3A_632, %dma_wait3A_655] : memref<16x85x120xi32, #tpu.memory_space<hbm>> -> memref<1x1x120xi32, #tpu.memory_space<hbm>>
      %dma_wait3A_657 = tpu.memref_squeeze %dma_wait3A_656 : memref<1x1x120xi32, #tpu.memory_space<hbm>> -> memref<120xi32, #tpu.memory_space<hbm>>
      tpu.wait_dma2 semaphore(%arg23 : memref<!tpu.dma_semaphore, #tpu.memory_space<semaphore_mem>>) src(%dma_wait3A_657 : memref<120xi32, #tpu.memory_space<hbm>>) dst(%dma_wait3A_654 : memref<120xi32, #tpu.memory_space<vmem>>)
      %dma_start3A_658 = arith.constant 0 : i32
      %dma_start3A_659 = arith.constant 0 : i32
      %dma_start3A_660 = arith.constant 0 : i32
      %dma_start3A_661 = arith.constant 0 : i32
      %dma_start3A_662 = tpu.memref_slice %arg9[%dma_start3A_658, %dma_start3A_660, %dma_start3A_661] : memref<3x120x128xf32, #tpu.memory_space<vmem>> -> memref<1x120x128xf32, #tpu.memory_space<vmem>>
      %dma_start3A_663 = tpu.memref_squeeze %dma_start3A_662 : memref<1x120x128xf32, #tpu.memory_space<vmem>> -> memref<120x128xf32, #tpu.memory_space<vmem>>
      %dma_start3A_664 = arith.constant 0 : i32
      %dma_start3A_665 = tpu.memref_slice %arg8[%dma_start3A_659, %dma_start3A_664] : memref<6x120xi32, #tpu.memory_space<vmem>> -> memref<1x120xi32, #tpu.memory_space<vmem>>
      %dma_start3A_666 = tpu.memref_squeeze %dma_start3A_665 : memref<1x120xi32, #tpu.memory_space<vmem>> -> memref<120xi32, #tpu.memory_space<vmem>>
      %dma_start3A_667 = arith.constant 0 : i32
      %dma_start3A_668 = arith.constant 0 : i32
      %dma_start3A_669 = tpu.memref_slice %arg10[%dma_start3A_667, %dma_start3A_668] : memref<10112x128xf32, #tpu.memory_space<vmem_shared>> -> memref<10112x128xf32, #tpu.memory_space<vmem_shared>>
      tpu.enqueue_indirect_dma source(%dma_start3A_663 : memref<120x128xf32, #tpu.memory_space<vmem>>) target(%dma_start3A_669 : memref<10112x128xf32, #tpu.memory_space<vmem_shared>>) offsets(%dma_start3A_666 : memref<120xi32, #tpu.memory_space<vmem>>) semaphore(%arg14 : memref<!tpu.dma_semaphore, #tpu.memory_space<semaphore_mem>>) {add = true}
      %dma_wait3A_670 = arith.constant 0 : i32
      %dma_wait3A_671 = arith.constant 0 : i32
      %dma_wait3A_672 = arith.constant 0 : i32
      %dma_wait3A_673 = arith.constant 0 : i32
      %dma_wait3A_674 = tpu.memref_slice %arg9[%dma_wait3A_670, %dma_wait3A_672, %dma_wait3A_673] : memref<3x120x128xf32, #tpu.memory_space<vmem>> -> memref<1x120x128xf32, #tpu.memory_space<vmem>>
      %dma_wait3A_675 = tpu.memref_squeeze %dma_wait3A_674 : memref<1x120x128xf32, #tpu.memory_space<vmem>> -> memref<120x128xf32, #tpu.memory_space<vmem>>
      %dma_wait3A_676 = arith.constant 0 : i32
      %dma_wait3A_677 = tpu.memref_slice %arg8[%dma_wait3A_671, %dma_wait3A_676] : memref<6x120xi32, #tpu.memory_space<vmem>> -> memref<1x120xi32, #tpu.memory_space<vmem>>
      %dma_wait3A_678 = tpu.memref_squeeze %dma_wait3A_677 : memref<1x120xi32, #tpu.memory_space<vmem>> -> memref<120xi32, #tpu.memory_space<vmem>>
      %dma_wait3A_679 = arith.constant 0 : i32
      %dma_wait3A_680 = arith.constant 0 : i32
      %dma_wait3A_681 = tpu.memref_slice %arg10[%dma_wait3A_679, %dma_wait3A_680] : memref<10112x128xf32, #tpu.memory_space<vmem_shared>> -> memref<10112x128xf32, #tpu.memory_space<vmem_shared>>
      tpu.wait_indirect_dma semaphore(%arg16 : memref<!tpu.dma_semaphore, #tpu.memory_space<semaphore_mem>>) src(%dma_wait3A_675 : memref<120x128xf32, #tpu.memory_space<vmem>>) dst(%dma_wait3A_681 : memref<10112x128xf32, #tpu.memory_space<vmem_shared>>)
      %le3A_682 = arith.constant 79 : i32
      %le3A_683 = arith.cmpi sle, %add3A_632, %le3A_682 : i32
      %convert_element_type3A_684 = arith.extui %le3A_683 : i1 to i32
      %cond3A_685 = arith.constant 0 : i32
      %cond3A_686 = arith.cmpi ne, %convert_element_type3A_684, %cond3A_685 : i32
      scf.if %cond3A_686 {
        %add3A_692 = arith.constant 5 : i32
        %add3A_693 = arith.addi %add3A_632, %add3A_692 : i32
        %dma_start3A_694 = arith.constant 5 : i32
        %dma_start3A_695 = arith.constant 0 : i32
        %dma_start3A_696 = tpu.memref_slice %arg7[%dma_start3A_694, %dma_start3A_695] : memref<6x120xi32, #tpu.memory_space<vmem>> -> memref<1x120xi32, #tpu.memory_space<vmem>>
        %dma_start3A_697 = tpu.memref_squeeze %dma_start3A_696 : memref<1x120xi32, #tpu.memory_space<vmem>> -> memref<120xi32, #tpu.memory_space<vmem>>
        %dma_start3A_698 = arith.constant 0 : i32
        %dma_start3A_699 = tpu.memref_slice %arg3[%arg0, %arg1, %add3A_693, %dma_start3A_698] : memref<2x16x85x120xi32, #tpu.memory_space<hbm>> -> memref<1x1x1x120xi32, #tpu.memory_space<hbm>>
        %dma_start3A_700 = tpu.memref_squeeze %dma_start3A_699 : memref<1x1x1x120xi32, #tpu.memory_space<hbm>> -> memref<120xi32, #tpu.memory_space<hbm>>
        %dma_start3A_701 = arith.constant 0 : i32
        %dma_start3A_702 = tpu.memref_slice %arg7[%dma_start3A_694, %dma_start3A_701] : memref<6x120xi32, #tpu.memory_space<vmem>> -> memref<1x120xi32, #tpu.memory_space<vmem>>
        %dma_start3A_703 = tpu.memref_squeeze %dma_start3A_702 : memref<1x120xi32, #tpu.memory_space<vmem>> -> memref<120xi32, #tpu.memory_space<vmem>>
        %dma_start3A_704 = arith.constant 0 : i32
        %dma_start3A_705 = tpu.memref_slice %arg3[%arg0, %arg1, %add3A_693, %dma_start3A_704] : memref<2x16x85x120xi32, #tpu.memory_space<hbm>> -> memref<1x1x1x120xi32, #tpu.memory_space<hbm>>
        %dma_start3A_706 = tpu.memref_squeeze %dma_start3A_705 : memref<1x1x1x120xi32, #tpu.memory_space<hbm>> -> memref<120xi32, #tpu.memory_space<hbm>>
        tpu.enqueue_dma source(%dma_start3A_706 : memref<120xi32, #tpu.memory_space<hbm>>) target(%dma_start3A_703 : memref<120xi32, #tpu.memory_space<vmem>>) target_semaphore(%arg22 : memref<!tpu.dma_semaphore, #tpu.memory_space<semaphore_mem>>)
        %dma_start3A_707 = arith.constant 5 : i32
        %dma_start3A_708 = arith.constant 0 : i32
        %dma_start3A_709 = tpu.memref_slice %arg8[%dma_start3A_707, %dma_start3A_708] : memref<6x120xi32, #tpu.memory_space<vmem>> -> memref<1x120xi32, #tpu.memory_space<vmem>>
        %dma_start3A_710 = tpu.memref_squeeze %dma_start3A_709 : memref<1x120xi32, #tpu.memory_space<vmem>> -> memref<120xi32, #tpu.memory_space<vmem>>
        %dma_start3A_711 = arith.constant 0 : i32
        %dma_start3A_712 = tpu.memref_slice %arg4[%arg1, %add3A_693, %dma_start3A_711] : memref<16x85x120xi32, #tpu.memory_space<hbm>> -> memref<1x1x120xi32, #tpu.memory_space<hbm>>
        %dma_start3A_713 = tpu.memref_squeeze %dma_start3A_712 : memref<1x1x120xi32, #tpu.memory_space<hbm>> -> memref<120xi32, #tpu.memory_space<hbm>>
        %dma_start3A_714 = arith.constant 0 : i32
        %dma_start3A_715 = tpu.memref_slice %arg8[%dma_start3A_707, %dma_start3A_714] : memref<6x120xi32, #tpu.memory_space<vmem>> -> memref<1x120xi32, #tpu.memory_space<vmem>>
        %dma_start3A_716 = tpu.memref_squeeze %dma_start3A_715 : memref<1x120xi32, #tpu.memory_space<vmem>> -> memref<120xi32, #tpu.memory_space<vmem>>
        %dma_start3A_717 = arith.constant 0 : i32
        %dma_start3A_718 = tpu.memref_slice %arg4[%arg1, %add3A_693, %dma_start3A_717] : memref<16x85x120xi32, #tpu.memory_space<hbm>> -> memref<1x1x120xi32, #tpu.memory_space<hbm>>
        %dma_start3A_719 = tpu.memref_squeeze %dma_start3A_718 : memref<1x1x120xi32, #tpu.memory_space<hbm>> -> memref<120xi32, #tpu.memory_space<hbm>>
        tpu.enqueue_dma source(%dma_start3A_719 : memref<120xi32, #tpu.memory_space<hbm>>) target(%dma_start3A_716 : memref<120xi32, #tpu.memory_space<vmem>>) target_semaphore(%arg28 : memref<!tpu.dma_semaphore, #tpu.memory_space<semaphore_mem>>)
      } else {
      }
      %le3A_687 = arith.constant 82 : i32
      %le3A_688 = arith.cmpi sle, %add3A_632, %le3A_687 : i32
      %convert_element_type3A_689 = arith.extui %le3A_688 : i1 to i32
      %cond3A_690 = arith.constant 0 : i32
      %cond3A_691 = arith.cmpi ne, %convert_element_type3A_689, %cond3A_690 : i32
      scf.if %cond3A_691 {
        %add3A_692 = arith.constant 2 : i32
        %add3A_693 = arith.addi %add3A_632, %add3A_692 : i32
        %dma_wait3A_694 = arith.constant 2 : i32
        %dma_wait3A_695 = arith.constant 0 : i32
        %dma_wait3A_696 = tpu.memref_slice %arg7[%dma_wait3A_694, %dma_wait3A_695] : memref<6x120xi32, #tpu.memory_space<vmem>> -> memref<1x120xi32, #tpu.memory_space<vmem>>
        %dma_wait3A_697 = tpu.memref_squeeze %dma_wait3A_696 : memref<1x120xi32, #tpu.memory_space<vmem>> -> memref<120xi32, #tpu.memory_space<vmem>>
        %dma_wait3A_698 = arith.constant 0 : i32
        %dma_wait3A_699 = tpu.memref_slice %arg3[%arg0, %arg1, %add3A_693, %dma_wait3A_698] : memref<2x16x85x120xi32, #tpu.memory_space<hbm>> -> memref<1x1x1x120xi32, #tpu.memory_space<hbm>>
        %dma_wait3A_700 = tpu.memref_squeeze %dma_wait3A_699 : memref<1x1x1x120xi32, #tpu.memory_space<hbm>> -> memref<120xi32, #tpu.memory_space<hbm>>
        %dma_wait3A_701 = arith.constant 0 : i32
        %dma_wait3A_702 = tpu.memref_slice %arg7[%dma_wait3A_694, %dma_wait3A_701] : memref<6x120xi32, #tpu.memory_space<vmem>> -> memref<1x120xi32, #tpu.memory_space<vmem>>
        %dma_wait3A_703 = tpu.memref_squeeze %dma_wait3A_702 : memref<1x120xi32, #tpu.memory_space<vmem>> -> memref<120xi32, #tpu.memory_space<vmem>>
        %dma_wait3A_704 = arith.constant 0 : i32
        %dma_wait3A_705 = tpu.memref_slice %arg3[%arg0, %arg1, %add3A_693, %dma_wait3A_704] : memref<2x16x85x120xi32, #tpu.memory_space<hbm>> -> memref<1x1x1x120xi32, #tpu.memory_space<hbm>>
        %dma_wait3A_706 = tpu.memref_squeeze %dma_wait3A_705 : memref<1x1x1x120xi32, #tpu.memory_space<hbm>> -> memref<120xi32, #tpu.memory_space<hbm>>
        tpu.wait_dma2 semaphore(%arg19 : memref<!tpu.dma_semaphore, #tpu.memory_space<semaphore_mem>>) src(%dma_wait3A_706 : memref<120xi32, #tpu.memory_space<hbm>>) dst(%dma_wait3A_703 : memref<120xi32, #tpu.memory_space<vmem>>)
        %dma_start3A_707 = arith.constant 2 : i32
        %dma_start3A_708 = arith.constant 2 : i32
        %dma_start3A_709 = arith.constant 0 : i32
        %dma_start3A_710 = arith.constant 0 : i32
        %dma_start3A_711 = tpu.memref_slice %arg9[%dma_start3A_708, %dma_start3A_709, %dma_start3A_710] : memref<3x120x128xf32, #tpu.memory_space<vmem>> -> memref<1x120x128xf32, #tpu.memory_space<vmem>>
        %dma_start3A_712 = tpu.memref_squeeze %dma_start3A_711 : memref<1x120x128xf32, #tpu.memory_space<vmem>> -> memref<120x128xf32, #tpu.memory_space<vmem>>
        %dma_start3A_713 = arith.constant 0 : i32
        %dma_start3A_714 = tpu.memref_slice %arg7[%dma_start3A_707, %dma_start3A_713] : memref<6x120xi32, #tpu.memory_space<vmem>> -> memref<1x120xi32, #tpu.memory_space<vmem>>
        %dma_start3A_715 = tpu.memref_squeeze %dma_start3A_714 : memref<1x120xi32, #tpu.memory_space<vmem>> -> memref<120xi32, #tpu.memory_space<vmem>>
        %dma_start3A_716 = arith.constant 0 : i32
        %dma_start3A_717 = arith.constant 0 : i32
        %dma_start3A_718 = tpu.memref_slice %arg2[%dma_start3A_716, %dma_start3A_717] : memref<20016x128xf32, #tpu.memory_space<hbm>> -> memref<20016x128xf32, #tpu.memory_space<hbm>>
        tpu.enqueue_indirect_dma source(%dma_start3A_718 : memref<20016x128xf32, #tpu.memory_space<hbm>>) target(%dma_start3A_712 : memref<120x128xf32, #tpu.memory_space<vmem>>) offsets(%dma_start3A_715 : memref<120xi32, #tpu.memory_space<vmem>>) semaphore(%arg13 : memref<!tpu.dma_semaphore, #tpu.memory_space<semaphore_mem>>)
      } else {
      }
    }
    %scan3A_291 = arith.constant 14 : i32
    %dma_wait3A_292 = arith.constant 0 : i32
    %dma_wait3A_293 = arith.constant 0 : i32
    %dma_wait3A_294 = arith.constant 0 : i32
    %dma_wait3A_295 = arith.constant 0 : i32
    %dma_wait3A_296 = tpu.memref_slice %arg9[%dma_wait3A_292, %dma_wait3A_294, %dma_wait3A_295] : memref<3x120x128xf32, #tpu.memory_space<vmem>> -> memref<1x120x128xf32, #tpu.memory_space<vmem>>
    %dma_wait3A_297 = tpu.memref_squeeze %dma_wait3A_296 : memref<1x120x128xf32, #tpu.memory_space<vmem>> -> memref<120x128xf32, #tpu.memory_space<vmem>>
    %dma_wait3A_298 = arith.constant 0 : i32
    %dma_wait3A_299 = tpu.memref_slice %arg8[%dma_wait3A_293, %dma_wait3A_298] : memref<6x120xi32, #tpu.memory_space<vmem>> -> memref<1x120xi32, #tpu.memory_space<vmem>>
    %dma_wait3A_300 = tpu.memref_squeeze %dma_wait3A_299 : memref<1x120xi32, #tpu.memory_space<vmem>> -> memref<120xi32, #tpu.memory_space<vmem>>
    %dma_wait3A_301 = arith.constant 0 : i32
    %dma_wait3A_302 = arith.constant 0 : i32
    %dma_wait3A_303 = tpu.memref_slice %arg10[%dma_wait3A_301, %dma_wait3A_302] : memref<10112x128xf32, #tpu.memory_space<vmem_shared>> -> memref<10112x128xf32, #tpu.memory_space<vmem_shared>>
    tpu.wait_indirect_dma semaphore(%arg14 : memref<!tpu.dma_semaphore, #tpu.memory_space<semaphore_mem>>) src(%dma_wait3A_297 : memref<120x128xf32, #tpu.memory_space<vmem>>) dst(%dma_wait3A_303 : memref<10112x128xf32, #tpu.memory_space<vmem_shared>>)
    %barrier3A_304 = arith.constant 0 : index
    tpu.barrier barrier_id(%barrier3A_304)
    "tpu.region"() ({
      %run_scoped3A = tpu.sem_alloc : memref<!tpu.dma_semaphore, #tpu.memory_space<semaphore_mem>>
      %dma_start3A_305 = arith.constant 0 : i32
      %dma_start3A_306 = tpu.memref_slice %arg6[%arg0, %mul3A_0, %dma_start3A_305] : memref<2x10112x128xf32, #tpu.memory_space<hbm>> -> memref<1x632x128xf32, #tpu.memory_space<hbm>>
      %dma_start3A_307 = tpu.memref_squeeze %dma_start3A_306 : memref<1x632x128xf32, #tpu.memory_space<hbm>> -> memref<632x128xf32, #tpu.memory_space<hbm>>
      %dma_start3A_308 = arith.constant 0 : i32
      %dma_start3A_309 = tpu.memref_slice %arg10[%mul3A_0, %dma_start3A_308] : memref<10112x128xf32, #tpu.memory_space<vmem_shared>> -> memref<632x128xf32, #tpu.memory_space<vmem_shared>>
      tpu.enqueue_dma source(%dma_start3A_309 : memref<632x128xf32, #tpu.memory_space<vmem_shared>>) target(%dma_start3A_307 : memref<632x128xf32, #tpu.memory_space<hbm>>) target_semaphore(%run_scoped3A : memref<!tpu.dma_semaphore, #tpu.memory_space<semaphore_mem>>)
      %dma_wait3A_310 = arith.constant 0 : i32
      %dma_wait3A_311 = tpu.memref_slice %arg6[%arg0, %mul3A_0, %dma_wait3A_310] : memref<2x10112x128xf32, #tpu.memory_space<hbm>> -> memref<1x632x128xf32, #tpu.memory_space<hbm>>
      %dma_wait3A_312 = tpu.memref_squeeze %dma_wait3A_311 : memref<1x632x128xf32, #tpu.memory_space<hbm>> -> memref<632x128xf32, #tpu.memory_space<hbm>>
      %dma_wait3A_313 = arith.constant 0 : i32
      %dma_wait3A_314 = tpu.memref_slice %arg10[%mul3A_0, %dma_wait3A_313] : memref<10112x128xf32, #tpu.memory_space<vmem_shared>> -> memref<632x128xf32, #tpu.memory_space<vmem_shared>>
      tpu.wait_dma2 semaphore(%run_scoped3A : memref<!tpu.dma_semaphore, #tpu.memory_space<semaphore_mem>>) src(%dma_wait3A_314 : memref<632x128xf32, #tpu.memory_space<vmem_shared>>) dst(%dma_wait3A_312 : memref<632x128xf32, #tpu.memory_space<hbm>>)
      tpu.yield
    }) : () -> ()
    return
  }
}

module attributes {stable_mosaic.version = 14 : i64} {
  func.func @_tc_mlp_body(%arg0: i32, %arg1: memref<1000x256xf32, #tpu.memory_space<vmem>>, %arg2: memref<2x1000x128xf32, #tpu.memory_space<vmem>>, %arg3: memref<256x256xf32, #tpu.memory_space<vmem>>, %arg4: memref<1x256xf32, #tpu.memory_space<vmem>>, %arg5: memref<1xf32, #tpu.memory_space<smem>>, %arg6: memref<1000x256xf32, #tpu.memory_space<vmem>>) attributes {dimension_semantics = [#tpu.dimension_semantics<arbitrary>], iteration_bounds = array<i64: 10>, scalar_prefetch = 0 : i64, scratch_operands = 0 : i64, tpu.core_type = #tpu.core_type<tc>, window_params = [{transform_indices = @transform_0, window_bounds = array<i64: 1000, 256>}, {transform_indices = @transform_1, window_bounds = array<i64: 2, 1000, 128>}, {pipeline_mode = #tpu.pipeline_mode<synchronous>, transform_indices = @transform_2, window_bounds = array<i64: 256, 256>}, {pipeline_mode = #tpu.pipeline_mode<synchronous>, transform_indices = @transform_3, window_bounds = array<i64: 1, 256>}, {transform_indices = @transform_4, window_bounds = array<i64: 1>}, {transform_indices = @transform_5, window_bounds = array<i64: 1000, 256>}]} {
    %get3A = arith.constant 0 : index
    %get3A_0 = arith.constant 0 : index
    %get3A_1 = arith.constant 0 : index
    %get3A_2 = vector.load %arg2[%get3A, %get3A_0, %get3A_1] : memref<2x1000x128xf32, #tpu.memory_space<vmem>>, vector<1x1000x128xf32>
    %get3A_3 = vector.shape_cast %get3A_2 : vector<1x1000x128xf32> to vector<1000x128xf32>
    %get3A_4 = arith.constant 1 : index
    %get3A_5 = arith.constant 0 : index
    %get3A_6 = arith.constant 0 : index
    %get3A_7 = vector.load %arg2[%get3A_4, %get3A_5, %get3A_6] : memref<2x1000x128xf32, #tpu.memory_space<vmem>>, vector<1x1000x128xf32>
    %get3A_8 = vector.shape_cast %get3A_7 : vector<1x1000x128xf32> to vector<1000x128xf32>
    %concatenate3A = tpu.concatenate %get3A_3, %get3A_8 in 1 : vector<1000x128xf32>, vector<1000x128xf32> -> vector<1000x256xf32>
    %get3A_9 = arith.constant 0 : index
    %get3A_10 = arith.constant 0 : index
    %get3A_11 = vector.load %arg1[%get3A_9, %get3A_10] : memref<1000x256xf32, #tpu.memory_space<vmem>>, vector<1000x256xf32>
    %get3A_12 = arith.constant 0 : index
    %get3A_13 = memref.load %arg5[%get3A_12] : memref<1xf32, #tpu.memory_space<smem>>
    %mul3A = vector.broadcast %get3A_13 : f32 to vector<1000x256xf32>
    %mul3A_14 = arith.mulf %get3A_11, %mul3A : vector<1000x256xf32>
    %add3A = arith.addf %mul3A_14, %concatenate3A : vector<1000x256xf32>
    %get3A_15 = arith.constant 0 : index
    %get3A_16 = arith.constant 0 : index
    %get3A_17 = vector.load %arg3[%get3A_15, %get3A_16] : memref<256x256xf32, #tpu.memory_space<vmem>>, vector<256x256xf32>
    %dot_general3A = arith.constant dense<0.000000e+00> : vector<1000x256xf32>
    %dot_general3A_18 = tpu.matmul %add3A, %get3A_17, %dot_general3A {dimension_numbers = #tpu.dot_dimension_numbers<[1], [0], [0], [1], [0, 0, 1, 1], [], []>, transpose_lhs_hint = false} : vector<1000x256xf32>, vector<256x256xf32>, vector<1000x256xf32> -> vector<1000x256xf32>
    %get3A_19 = arith.constant 0 : index
    %get3A_20 = arith.constant 0 : index
    %get3A_21 = vector.load %arg4[%get3A_19, %get3A_20] : memref<1x256xf32, #tpu.memory_space<vmem>>, vector<1x256xf32>
    %add3A_22 = vector.broadcast %get3A_21 : vector<1x256xf32> to vector<1000x256xf32>
    %add3A_23 = arith.addf %dot_general3A_18, %add3A_22 : vector<1000x256xf32>
    %max3A = arith.constant 0.000000e+00 : f32
    %max3A_24 = vector.broadcast %max3A : f32 to vector<1000x256xf32>
    %max3A_25 = arith.maximumf %add3A_23, %max3A_24 : vector<1000x256xf32>
    %swap3A = arith.constant 0 : index
    %swap3A_26 = arith.constant 0 : index
    %swap3A_27 = vector.load %arg6[%swap3A, %swap3A_26] : memref<1000x256xf32, #tpu.memory_space<vmem>>, vector<1000x256xf32>
    tpu.vector_store %arg6[%swap3A, %swap3A_26], %max3A_25 {strides = array<i32>} : memref<1000x256xf32, #tpu.memory_space<vmem>>, vector<1000x256xf32>,
    return
  }
  func.func @transform_0(%arg0: i32) -> (i32, i32) {
    %c0_i32 = arith.constant 0 : i32
    %c0_i32_0 = arith.constant 0 : i32
    return %arg0, %c0_i32 : i32, i32
  }
  func.func @transform_1(%arg0: i32) -> (i32, i32, i32) {
    %c0_i32 = arith.constant 0 : i32
    %c0_i32_0 = arith.constant 0 : i32
    %c0_i32_1 = arith.constant 0 : i32
    return %c0_i32, %arg0, %c0_i32_0 : i32, i32, i32
  }
  func.func @transform_2(%arg0: i32) -> (i32, i32) {
    %c0_i32 = arith.constant 0 : i32
    %c0_i32_0 = arith.constant 0 : i32
    %c0_i32_1 = arith.constant 0 : i32
    return %c0_i32, %c0_i32_0 : i32, i32
  }
  func.func @transform_3(%arg0: i32) -> (i32, i32) {
    %c0_i32 = arith.constant 0 : i32
    %c0_i32_0 = arith.constant 0 : i32
    %c0_i32_1 = arith.constant 0 : i32
    return %c0_i32, %c0_i32_0 : i32, i32
  }
  func.func @transform_4(%arg0: i32) -> i32 {
    %c0_i32 = arith.constant 0 : i32
    %c0_i32_0 = arith.constant 0 : i32
    return %c0_i32 : i32
  }
  func.func @transform_5(%arg0: i32) -> (i32, i32) {
    %c0_i32 = arith.constant 0 : i32
    %c0_i32_0 = arith.constant 0 : i32
    return %arg0, %c0_i32 : i32, i32
  }
}

</mosaic_0001>

<sc_bundles>
// kernel: kernel.4.cloned.1.call-start
scs
__scs_entry_jumppad:
0x0: {  	(pc) =	sbr.rel $0x88, $3  }
0x1: {  	(tag) =	ssettag $0x0;
	lr =	simm.s32 $0x1  }
0x2: {  	[smem:$0x3F9C] =	sst lr;
	_ =	strace $0xD0000000  }
0x3: {  	_ = 	snop  }
0x4: {  	_ = 	snop  }
0x5: {  	_ = 	snop  }
0x6: {  	_ = 	snop  }
0x7: {  	_ = 	snop  }
__scs_overlays_trampoline_lowered:
0x8: {  	[smem:$0x3FAB] =	sst s0  }
0x9: {  	[smem:$0x3FAC] =	sst s1  }
0xa: {  	[smem:$0x3FAD] =	sst s2  }
0xb: {  	[smem:$0x3FAE] =	sst s3  }
0xc: {  	[smem:$0x3FAF] =	sst s4  }
0xd: {  	[smem:$0x3FB0] =	sst s5  }
0xe: {  	[smem:$0x3FB1] =	sst s6  }
0xf: {  	[smem:$0x3FB2] =	sst s7  }
0x10: {  	[smem:$0x3FB3] =	sst s8  }
0x11: {  	[smem:$0x3FB4] =	sst s9;
	s0 =	simm.s32 @!p0 $0x0  }
0x12: {  	s1 =	sld [smem:$0x3F9A];
	s0 =	simm.s32 @p0 $0x1  }
0x13: {  	[smem:$0x3FB5] =	sst s0;
	s0 =	simm.s32 @!p1 $0x0  }
0x14: {  	s2 =	sld [smem:$0x3F99];
	s0 =	simm.s32 @p1 $0x1  }
0x15: {  	[smem:$0x3FB6] =	sst s0;
	s0 =	simm.s32 @!p2 $0x0  }
0x16: {  	s3 =	sld [smem:$0x3FDB];
	s0 =	simm.s32 @p2 $0x1  }
0x17: {  	s4 =	simm.s32 $0x1BF5;
	[smem:$0x3FB8] =	sst s0  }
0x18: {  	s0 =	sld [smem:$0x3F9B];
	_ =	swait.ge [sflag:s4], $0x0  }
0x19: {  	s7 =	sld [smem:$0x3F9C]  }
0x1a: {  	s8 =	sadd.s32 $0xFFFFE003, lr  }
0x1b: {  	s9 =	sadd.s32 $0xFFFFFEF7, lr;
	s5 =	simm.s32 $0xFFFFFFFF;
	p2 =	slt.u32 s8, $0xFFFFF086  }
0x1c: {  	p1 =	slt.u32 s9, $0xF7A;
	s5 =	simm.s32 @!p2 $0x0  }
0x1d: {  	s5 =	simm.s32 @p1 $0x1;
	p0 =	seq.s32 s7, s2  }
0x1e: {  	s7 =	smul.u32 @!p0 $0xF7A, s2;
	p2 =	seq.s32 @!p0 s5, $0x0  }
0x1f: {  	s9 =	smul.u32 $0xF7A, s1;
	s8 =	simm.s32 @!p0 $0x1BF5;
	p2 =	por !p2, p0  }
0x20: {  	[sflag:s8] =	ssyncset.s32 @!p0 $0xFFFFF086;
	s6 =	sadd.s32 @!p0 s3, s7;
	s7 =	simm.s32 @!p0 $0x108  }
0x21: {  	s3 =	sadd.s32 s3, s9;
	s6 =	sadd.s32 @!p0 $0x88, s6;
	s7 =	simm.s32 @p2 $0x1082  }
0x22: {  	[simem:s7], [sflag:s8] =	dma.local @!p0 [hbm:s6], $0xF7A  }
0x23: {  	s9 =	sor.u32 $0xD0000000, s2;
	s6 =	simm.s32 $0x108;
	_ =	swait.ge @!p0 [sflag:s8], $0x0  }
0x24: {  	s3 =	sadd.s32 $0x88, s3;
	s6 =	simm.s32 @!p1 $0x1082;
	[sflag:s4] =	ssyncset.s32 $0xFFFFF086  }
0x25: {  	[simem:s6], [sflag:s4] =	dma.local [hbm:s3], $0xF7A  }
0x26: {  	[smem:$0x3F9C] =	sst s1;
	(tag) =	ssettag s2;
	_ =	strace s9  }
0x27: {  	s1 =	sld [smem:$0x3FAC]  }
0x28: {  	s2 =	sld [smem:$0x3FAD]  }
0x29: {  	s4 =	sld [smem:$0x3FAF]  }
0x2a: {  	p0 =	seq.s32 s5, $0x0;
	s5 =	sld [smem:$0x3FB0]  }
0x2b: {  	s6 =	sld [smem:$0x3FB1]  }
0x2c: {  	s7 =	sld [smem:$0x3FB2]  }
0x2d: {  	s3 =	simm.s32 $0x108;
	s8 =	sld [smem:$0x3FB3]  }
0x2e: {  	s3 =	simm.s32 @!p0 $0x1082;
	s9 =	sld [smem:$0x3FB4]  }
0x2f: {  	lr =	sadd.s32 s0, s3;
	s0 =	sld [smem:$0x3FAB]  }
0x30: {  	s3 =	sld [smem:$0x3FAE]  }
0x31: {  	[smem:$0x3FB7] =	sst s10  }
0x32: {  	s10 =	sld [smem:$0x3FB5];
	_ =	sdelay $0x3  }
0x33: {  	p0 =	seq.s32 s10, $0x1;
	s10 =	sld [smem:$0x3FB7];
	_ =	sdelay $0x3  }
0x34: {  	[smem:$0x3FB7] =	sst s10  }
0x35: {  	s10 =	sld [smem:$0x3FB6];
	_ =	sdelay $0x3  }
0x36: {  	p1 =	seq.s32 s10, $0x1;
	s10 =	sld [smem:$0x3FB7];
	_ =	sdelay $0x3  }
0x37: {  	[smem:$0x3FB7] =	sst s10  }
0x38: {  	s10 =	sld [smem:$0x3FB8]  }
0x39: {  	_ = 	snop;
	(pc) =	sbr.ind lr, $3  }
0x3a: {  	_ = 	snop  }
0x3b: {  	_ = 	snop  }
0x3c: {  	p2 =	seq.s32 s10, $0x1;
	s10 =	sld [smem:$0x3FB7]  }
0x3d: {  	_ =	shalt  }
0x3e: {  	_ =	shalt  }
0x3f: {  	_ =	shalt  }
0x40: {  	_ =	shalt  }
0x41: {  	_ =	shalt  }
0x42: {  	_ =	shalt  }
0x43: {  	_ =	shalt  }
0x44: {  	_ =	shalt  }
0x45: {  	_ =	shalt  }
0x46: {  	_ =	shalt  }
0x47: {  	_ =	shalt  }
0x48: {  	_ =	shalt  }
0x49: {  	_ =	shalt  }
0x4a: {  	_ =	shalt  }
0x4b: {  	_ =	shalt  }
0x4c: {  	_ =	shalt  }
0x4d: {  	_ =	shalt  }
0x4e: {  	_ =	shalt  }
0x4f: {  	_ =	shalt  }
0x50: {  	_ =	shalt  }
0x51: {  	_ =	shalt  }
0x52: {  	_ =	shalt  }
0x53: {  	_ =	shalt  }
0x54: {  	_ =	shalt  }
0x55: {  	_ =	shalt  }
0x56: {  	_ =	shalt  }
0x57: {  	_ =	shalt  }
0x58: {  	_ =	shalt  }
0x59: {  	_ =	shalt  }
0x5a: {  	_ =	shalt  }
0x5b: {  	_ =	shalt  }
0x5c: {  	_ =	shalt  }
0x5d: {  	_ =	shalt  }
0x5e: {  	_ =	shalt  }
0x5f: {  	_ =	shalt  }
0x60: {  	_ =	shalt  }
0x61: {  	_ =	shalt  }
0x62: {  	_ =	shalt  }
0x63: {  	_ =	shalt  }
0x64: {  	_ =	shalt  }
0x65: {  	_ =	shalt  }
0x66: {  	_ =	shalt  }
0x67: {  	_ =	shalt  }
0x68: {  	_ =	shalt  }
0x69: {  	_ =	shalt  }
0x6a: {  	_ =	shalt  }
0x6b: {  	_ =	shalt  }
0x6c: {  	_ =	shalt  }
0x6d: {  	_ =	shalt  }
0x6e: {  	_ =	shalt  }
0x6f: {  	_ =	shalt  }
0x70: {  	_ =	shalt  }
0x71: {  	_ =	shalt  }
0x72: {  	_ =	shalt  }
0x73: {  	_ =	shalt  }
0x74: {  	_ =	shalt  }
0x75: {  	_ =	shalt  }
0x76: {  	_ =	shalt  }
0x77: {  	_ =	shalt  }
0x78: {  	_ =	shalt  }
0x79: {  	_ =	shalt  }
0x7a: {  	_ =	shalt  }
0x7b: {  	_ =	shalt  }
0x7c: {  	_ =	shalt  }
0x7d: {  	_ =	shalt  }
0x7e: {  	_ =	shalt  }
0x7f: {  	_ =	shalt  }
0x80: {  	_ =	shalt  }
0x81: {  	_ =	shalt  }
0x82: {  	_ =	shalt  }
0x83: {  	_ =	shalt  }
0x84: {  	_ =	shalt  }
0x85: {  	_ =	shalt  }
0x86: {  	_ =	shalt  }
0x87: {  	_ =	shalt  }
.Lfunc_end0:
.L_simem_size_0:
called_computation_lowered:
.L_overlay_start_0:
0x88: {  	s2 =	sld [smem:$0x3FD9]  }
0x89: {  	s3 =	sld [smem:$0x3FFE];
	_ =	sdelay $0x1  }
0x8a: {  	s1 =	srdreg.scid  }
0x8b: {  	s0 =	sand.u32 $0x1, s1  }
0x8c: {  	s17 =	sshll.u32 s0, $0xA;
	s2 =	sadd.s32 s3, s2  }
0x8d: {  	s2 =	sadd.s32 s2, s17  }
0x8e: {  	[smem:$0x3FC3] =	sst s2  }
0x8f: {  	_ = 	snop  }
0x90: {  	s2 =	sld [smem:$0x3FD0];
	(tm) =	ssettm $0x1  }
0x91: {  	s18 =	sld [smem:$0x3FFB];
	_ =	sdelay $0x3  }
0x92: {  	_ =	strace s18  }
0x93: {  	s3 =	sld [smem:$0x3FFC];
	_ =	sdelay $0x3  }
0x94: {  	_ =	strace s3  }
0x95: {  	s3 =	sld [smem:$0x3FFD];
	_ =	sdelay $0x3  }
0x96: {  	_ =	strace s3  }
0x97: {  	_ =	strace $0x8FFFFFFF  }
0x98: {  	s19 =	sld [smem:$0x3FDB];
	_ =	sdelay $0x1  }
0x99: {  	s4 =	simm.s32 $_scs_section_size  }
0x9a: {  	s5 =	simm.s32 $_size__tile_overlayer_lowered;
	s6 =	simm.s32 $_tile_overlayer_lowered  }
0x9b: {  	s22 =	simm.s32 $0x1BFF;
	s21 =	sshll.u32 s6, $0x1;
	s3 =	sadd.s32 s4, s19  }
0x9c: {  	s7 =	simm.s32 $0x0;
	s20 =	sshll.u32 s5, $0x1;
	s5 =	sadd.s32 s21, s3  }
0x9d: {  	[timem:s7], [sflag:s22] =	dma.local [hbm:s5], s20  }
0x9e: {  	_ =	swait.ge [sflag:s22], s20  }
0x9f: {  	s4 =	ssub.s32 $0x0, s20;
	[sflag:s22] =	ssyncset.done $0x0  }
0xa0: {  	[sflag:s22] =	ssyncadd.s32 s4;
	_ =	sdelay $0x1  }
0xa1: {  	s23 =	simm.s32 $0x1B8B  }
0xa2: {  	_ =	swait.ge [sflag:s23], $0x1  }
0xa3: {  	[sflag:s23] =	ssyncset.done $0x0  }
0xa4: {  	s25 =	simm.s32 $0x1B8E;
	s24 =	sld [smem:$0x3FFE];
	[sflag:s23] =	ssyncadd.s32 $0xFFFFFFFF  }
0xa5: {  	s26 =	simm.s32 $execute0_lowered;
	[smem:$0x3FD2] =	sst s25  }
0xa6: {  	s5 =	sshll.u32 s26, $0x1;
	_ =	strace $0x80000046;
	[dreg:$0x1] =	wrdreg $0xFFFFFFFF  }
0xa7: {  	s28 =	simm.s32 $_size_execute0_lowered;
	s3 =	sadd.s32 s3, s5;
	[dreg:$0x0] =	wrdreg $0x0  }
0xa8: {  	s5 =	sshll.u32 s28, $0x1;
	[dreg:$0x2] =	wrdreg s3  }
0xa9: {  	[dreg:$0x3] =	wrdreg s5  }
0xaa: {  	[dreg:$0x4] =	wrdreg $0xC0  }
0xab: {  	_ =	task [dreg:s7], $0x5FFFF  }
0xac: {  	[dreg:$0x1] =	wrdreg $0xFFFFFFFF  }
0xad: {  	[dreg:$0x0] =	wrdreg $0x60  }
0xae: {  	[dreg:$0x2] =	wrdreg s24  }
0xaf: {  	[dreg:$0x3] =	wrdreg s2  }
0xb0: {  	[dreg:$0x4] =	wrdreg $0xBC000  }
0xb1: {  	[dreg:$0x5] =	wrdreg $0x9  }
0xb2: {  	_ =	task.clear_ibuf [dreg:s7], $0x6FFFF;
	_ =	strace $0x90000046  }
0xb3: {  	s29 =	simm.s32 $0x9;
	_ =	strace $0x80000048  }
0xb4: {  	_ =	swait.ge [sflag:s29], $0x1  }
0xb5: {  	[sflag:s29] =	ssyncadd.s32 $0xFFFFFFFF  }
0xb6: {  	_ =	strace $0x90000048  }
0xb7: {  	_ =	sfence  }
0xb8: {  	s30 =	sld [smem:$0x0];
	_ =	sdelay $0x2  }
0xb9: {  	s31 =	sshll.u32 s1, $0xD;
	s1 =	sshrl.u32 s1, $0x2  }
0xba: {  	s3 =	sand.u32 $0x4000, s31;
	s1 =	sadd.s32 s1, s30  }
0xbb: {  	s0 =	sor.u32 s3, s0;
	s1 =	sshll.u32 s1, $0x11  }
0xbc: {  	s0 =	sor.u32 s1, s0  }
0xbd: {  	s0 =	sadd.s32 $0x8F2B, s0  }
0xbe: {  	[sflag:s0] =	ssyncadd.remote.s32 $0x1  }
0xbf: {  	_ =	sfence.sel $0xFFFF  }
0xc0: {  	[dreg:$0x0] =	wrdreg $0xFFFFFFFF;
	(pc) =	sbr.abs _section_cstart, $3  }
0xc1: {  	[dreg:$0x1] =	wrdreg $0xFFFFFFFF  }
0xc2: {  	_ =	task.clear_ibuf [dreg:s7], $0x2FFFF;
	_ =	strace $0x9FFFFFFF  }
0xc3: {  	(tm) =	ssettm $0x7FFFFFFF  }
tec
execute0_lowered:
.L_overlay_start_1:
0x0: {  	(tag) =	ssettag $0x1  }
0x1: {  	s0 =	rddreg [dreg:$0x0]  }
0x2: {  	s1 =	rddreg [dreg:$0x1]  }
0x3: {  	s2 =	rddreg [dreg:$0x2]  }
0x4: {  	s3 =	srdreg.scid;
	s4 =	simm.s32 $0x0;
	s11 =	stileid.u32  }
0x5: {  	s29 =	simm.s32 $0xF;
	s30 =	simm.s32 $0x5;
	s31 =	simm.s32 $0xB  }
0x6: {  	s28 =	simm.s32 $0x12;
	s3 =	sand.u32 $0x1, s3;
	s7 =	smul.u32 $0x13C00, s11  }
0x7: {  	[smem:$0x7FF] =	sst s4;
	s8 =	smul.u32 $0x4F000, s11;
	s5 =	sadd.s32 $0x6A00, s0  }
0x8: {  	s12 =	sadd.s32 $0x54E00, s0;
	s6 =	smul.u32 $0x13C000, s3;
	_ =	strace $0x80000047  }
0x9: {  	s9 =	smul.u32 $0x2C000, s3;
	[dreg:$0x4] =	wrdreg s12;
	s3 =	ssub.s32 $0x2, s3  }
0xa: {  	s12 =	sshrl.u32 s3, $0x1;
	s8 =	sshrl.u32 s8, $0x2;
	s7 =	sadd.s32 s7, s6  }
0xb: {  	s6 =	sadd.s32 $0x1200, s0;
	s3 =	ssub.s32 s3, s12;
	s8 =	sadd.s32 s8, s2  }
0xc: {  	s10 =	sshrl.u32 s7, $0x3;
	s7 =	smul.u32 $0x2C00, s11;
	s11 =	sshll.u32 s11, $0x6  }
0xd: {  	s12 =	simm.s32 $0x11;
	s25 =	smax.u32 s3, $0x1;
	[dreg:$0x5] =	wrdreg s11  }
0xe: {  	s0 =	sadd.s32 s10, s0;
	s11 =	sor.u32 $0x1C13, s11;
	[dreg:$0x13] =	wrdreg s25  }
0xf: {  	s15 =	sshrl.u32 s7, $0x3;
	[dreg:$0x7] =	wrdreg s11;
	s0 =	sadd.s32 $0x57600, s0  }
0x10: {  	s3 =	simm.s32 $0x6;
	s10 =	sadd.s32 s6, s15;
	[dreg:$0x12] =	wrdreg s0  }
0x11: {  	s25 =	simm.s32 $0x3;
	s17 =	sadd.s32 $0x10, s10;
	[dreg:$0x8] =	wrdreg s10  }
0x12: {  	s9 =	sadd.s32 s7, s9;
	s19 =	sadd.s32 $0x20, s10;
	[dreg:$0xa] =	wrdreg s17  }
0x13: {  	s13 =	sshrl.u32 s9, $0x3;
	s21 =	sadd.s32 $0x30, s10;
	[dreg:$0xc] =	wrdreg s19  }
0x14: {  	s0 =	simm.s32 $0x10;
	s23 =	sadd.s32 $0x40, s10;
	[dreg:$0xe] =	wrdreg s21  }
0x15: {  	s15 =	simm.s32 $0x0;
	s14 =	sadd.s32 s1, s13;
	[dreg:$0x10] =	wrdreg s23  }
0x16: {  	s26 =	sadd.s32 $0x50, s10;
	s10 =	simm.s32 $0x4400;
	[dreg:$0x6] =	wrdreg s14  }
0x17: {  	s13 =	simm.s32 $0x4;
	s16 =	sadd.s32 $0x10, s14;
	[dreg:$0x15] =	wrdreg s26  }
0x18: {  	s18 =	sadd.s32 $0x20, s14;
	s20 =	sadd.s32 $0x30, s14;
	[dreg:$0x9] =	wrdreg s16  }
0x19: {  	s22 =	sadd.s32 $0x40, s14;
	s24 =	sadd.s32 $0x50, s14;
	[dreg:$0xb] =	wrdreg s18  }
.Ltmp0:
0x1a: {  	s23 =	simm.s32 $0x400;
	[dreg:$0xd] =	wrdreg s20;
	(pc) =	sbr.rel .LBB2_1-.Ltmp0, $4  }
0x1b: {  	s17 =	simm.s32 $0x800;
	s19 =	simm.s32 $0x1;
	[dreg:$0xf] =	wrdreg s22  }
0x1c: {  	s26 =	simm.s32 $0x2;
	[dreg:$0x11] =	wrdreg s24;
	s18 =	sshrl.u32 s8, $0x3  }
0x1d: {  	s22 =	simm.s32 $0x200;
	s16 =	simm.s32 $0x78;
	s20 =	simm.s32 $0xD  }
0x1e: {  	s24 =	simm.s32 $0x8000;
	s8 =	simm.s32 $0xC;
	[dreg:$0x14] =	wrdreg s18  }
.LBB2_4:
0x1f: {  	_ =	swait.ge [sflag:s19], $0x3C00  }
0x20: {  	[sflag:s19] =	ssyncset.done $0x0  }
0x21: {  	[sflag:s19] =	ssyncadd.s32 $0xFFFFC400  }
0x22: {  	_ =	swait.ge [sflag:s20], $0x80  }
0x23: {  	[sflag:s20] =	ssyncset.done $0x0  }
0x24: {  	s23 =	simm.s32 $0x400;
	[sflag:s20] =	ssyncadd.s32 $0xFFFFFF80  }
0x25: {  	[spmem:s2] =	stream.indirect.scatter.add.f32 [tilespmem:s17], [sflag:$0x4], $0x80, s23, s16, $0xb8;
	[tilespmem:$0x1F800] =	vst v63  }
0x26: {  	_ =	swait.ge [sflag:s3], $0x3C00  }
0x27: {  	[sflag:s3] =	ssyncset.done $0x0  }
0x28: {  	[sflag:s3] =	ssyncadd.s32 $0xFFFFC400  }
0x29: {  	_ =	swait.ge [sflag:s13], $0x3C00  }
0x2a: {  	[sflag:s13] =	ssyncset.done $0x0  }
0x2b: {  	[sflag:s13] =	ssyncadd.s32 $0xFFFFC400  }
0x2c: {  	[bflag:$0x0] =	sbarrier.arrive $0xFFFF  }
0x2d: {  	s11 =	rddreg [dreg:$0x5]  }
0x2e: {  	s15 =	rddreg [dreg:$0x12]  }
0x2f: {  	s14 =	simm.s32 $0x14;
	s18 =	rddreg [dreg:$0x14];
	s11 =	sor.u32 $0x1C14, s11  }
0x30: {  	[hbm:s15], [sflag:s11] =	dma.local [spmem:s18], $0x2780  }
0x31: {  	_ =	swait.ge [sflag:s14], $0x2780  }
0x32: {  	s21 =	rddreg [dreg:$0x16]  }
0x33: {  	s22 =	rddreg [dreg:$0x13];
	s15 =	sadd.s32 $0x1, s21  }
0x34: {  	p0 =	sne.s32 s15, s22  }
.Ltmp1:
0x35: {  	_ = 	snop;
	(pc) =	sbr.rel @!p0 .LBB2_5-.Ltmp1, $3  }
0x36: {  	_ =	sdelay $0x1  }
0x37: {  	[sflag:s14] =	ssyncset.done $0x0  }
0x38: {  	[sflag:s14] =	ssyncadd.s32 $0xFFFFD880;
	s22 =	simm.s32 $0x200  }
.LBB2_1:
0x39: {  	[dreg:$0x16] =	wrdreg s15  }
0x3a: {  	s11 =	rddreg [dreg:$0x4]  }
0x3b: {  	s14 =	rddreg [dreg:$0x7]  }
0x3c: {  	[spmem:s18], [sflag:s14] =	dma.local [hbm:s11], $0x2780  }
0x3d: {  	s11 =	rddreg [dreg:$0x6]  }
0x3e: {  	[tilespmem:s4], [sflag:$0x7] =	stream.linear.gather [hbm4b:s11+s4], $0x80, $0x38;
	[tilespmem:$0x1F800] =	vst v63  }
0x3f: {  	s15 =	rddreg [dreg:$0x8]  }
0x40: {  	[tilespmem:s23], [sflag:$0xD] =	stream.linear.gather [hbm4b:s15+s4], $0x80, $0x38;
	[tilespmem:$0x1F800] =	vst v63  }
0x41: {  	s18 =	rddreg [dreg:$0x9];
	s15 =	simm.s32 $0x80  }
0x42: {  	[tilespmem:s15], [sflag:$0x8] =	stream.linear.gather [hbm4b:s18+s4], $0x80, $0x38;
	[tilespmem:$0x1F800] =	vst v63  }
0x43: {  	s14 =	simm.s32 $0x480;
	s21 =	rddreg [dreg:$0xa]  }
0x44: {  	[tilespmem:s14], [sflag:$0xE] =	stream.linear.gather [hbm4b:s21+s4], $0x80, $0x38;
	[tilespmem:$0x1F800] =	vst v63  }
0x45: {  	s18 =	simm.s32 $0x100;
	s21 =	rddreg [dreg:$0xb]  }
0x46: {  	[tilespmem:s18], [sflag:$0x9] =	stream.linear.gather [hbm4b:s21+s4], $0x80, $0x38;
	[tilespmem:$0x1F800] =	vst v63  }
0x47: {  	s14 =	rddreg [dreg:$0xc];
	s21 =	simm.s32 $0x500  }
0x48: {  	[tilespmem:s21], [sflag:$0xF] =	stream.linear.gather [hbm4b:s14+s4], $0x80, $0x38;
	[tilespmem:$0x1F800] =	vst v63  }
0x49: {  	s21 =	rddreg [dreg:$0xd];
	s14 =	simm.s32 $0x180  }
0x4a: {  	[tilespmem:s14], [sflag:$0xA] =	stream.linear.gather [hbm4b:s21+s4], $0x80, $0x38;
	[tilespmem:$0x1F800] =	vst v63  }
0x4b: {  	s21 =	rddreg [dreg:$0xe];
	s14 =	simm.s32 $0x580  }
0x4c: {  	[tilespmem:s14], [sflag:$0x10] =	stream.linear.gather [hbm4b:s21+s4], $0x80, $0x38;
	[tilespmem:$0x1F800] =	vst v63  }
0x4d: {  	s14 =	rddreg [dreg:$0xf]  }
0x4e: {  	[tilespmem:s22], [sflag:$0xB] =	stream.linear.gather [hbm4b:s14+s4], $0x80, $0x38;
	[tilespmem:$0x1F800] =	vst v63  }
0x4f: {  	s21 =	rddreg [dreg:$0x10];
	s22 =	simm.s32 $0x600;
	s14 =	simm.s32 $0x13  }
0x50: {  	[tilespmem:s22], [sflag:$0x11] =	stream.linear.gather [hbm4b:s21+s4], $0x80, $0x38;
	[tilespmem:$0x1F800] =	vst v63  }
0x51: {  	_ =	swait.ge [sflag:s14], $0x2780  }
0x52: {  	[sflag:s14] =	ssyncset.done $0x0  }
0x53: {  	[sflag:s14] =	ssyncadd.s32 $0xFFFFD880  }
0x54: {  	s21 =	simm.s32 $0x7;
	[bflag:$0x0] =	sbarrier.arrive $0xFFFF  }
0x55: {  	_ =	swait.ge [sflag:s21], $0x80  }
0x56: {  	[sflag:s21] =	ssyncset.done $0x0  }
0x57: {  	s22 =	simm.s32 $0x8;
	[sflag:s21] =	ssyncadd.s32 $0xFFFFFF80  }
0x58: {  	[tilespmem:s17], [sflag:$0x1] =	stream.indirect.gather [hbm4b:s5+s16], $0x80, s4, s16, $0xb8;
	[tilespmem:$0x1F800] =	vst v63  }
0x59: {  	_ =	swait.ge [sflag:s22], $0x80  }
0x5a: {  	[sflag:s22] =	ssyncset.done $0x0  }
0x5b: {  	[sflag:s22] =	ssyncadd.s32 $0xFFFFFF80  }
0x5c: {  	[tilespmem:s10], [sflag:$0x2] =	stream.indirect.gather [hbm4b:s5+s16], $0x80, s15, s16, $0xb8;
	[tilespmem:$0x1F800] =	vst v63  }
0x5d: {  	_ =	swait.ge [sflag:s19], $0x3C00  }
0x5e: {  	[sflag:s19] =	ssyncset.done $0x0  }
0x5f: {  	[sflag:s19] =	ssyncadd.s32 $0xFFFFC400  }
0x60: {  	_ =	swait.ge [sflag:s20], $0x80  }
0x61: {  	[sflag:s20] =	ssyncset.done $0x0  }
0x62: {  	[sflag:s20] =	ssyncadd.s32 $0xFFFFFF80  }
0x63: {  	[spmem:s2] =	stream.indirect.scatter.add.f32 [tilespmem:s17], [sflag:$0x4], $0x80, s23, s16, $0xb8;
	[tilespmem:$0x1F800] =	vst v63  }
0x64: {  	s15 =	simm.s32 $0x280;
	s14 =	rddreg [dreg:$0x11]  }
0x65: {  	[tilespmem:s15], [sflag:$0xC] =	stream.linear.gather [hbm4b:s14+s4], $0x80, $0x38;
	[tilespmem:$0x1F800] =	vst v63  }
0x66: {  	s22 =	simm.s32 $0x9;
	s21 =	rddreg [dreg:$0x15];
	s14 =	simm.s32 $0x680  }
0x67: {  	[tilespmem:s14], [sflag:$0x12] =	stream.linear.gather [hbm4b:s21+s4], $0x80, $0x38;
	[tilespmem:$0x1F800] =	vst v63  }
0x68: {  	_ =	swait.ge [sflag:s22], $0x80  }
0x69: {  	[sflag:s22] =	ssyncset.done $0x0  }
0x6a: {  	s21 =	simm.s32 $0x580;
	[sflag:s22] =	ssyncadd.s32 $0xFFFFFF80  }
0x6b: {  	[tilespmem:s24], [sflag:$0x3] =	stream.indirect.gather [hbm4b:s5+s16], $0x80, s18, s16, $0xb8;
	[tilespmem:$0x1F800] =	vst v63  }
.LBB2_2:
0x6c: {  	_ =	swait.ge [sflag:s26], $0x3C00  }
0x6d: {  	[sflag:s26] =	ssyncset.done $0x0  }
0x6e: {  	s11 =	simm.s32 $0xE;
	[sflag:s26] =	ssyncadd.s32 $0xFFFFC400  }
0x6f: {  	_ =	swait.ge [sflag:s11], $0x80  }
0x70: {  	s22 =	sadd.s32 $0xFFFFFD80, s21;
	[sflag:s11] =	ssyncset.done $0x0  }
0x71: {  	s15 =	simm.s32 $0x480;
	s18 =	sand.u32 $0x7C00, s22;
	[sflag:s11] =	ssyncadd.s32 $0xFFFFFF80  }
0x72: {  	[spmem:s2] =	stream.indirect.scatter.add.f32 [tilespmem:s10], [sflag:$0x5], $0x80, s15, s16, $0xb8;
	[tilespmem:$0x1F800] =	vst v63  }
0x73: {  	s22 =	sand.u32 $0x300, s22;
	s15 =	sadd.s32 s9, s18  }
0x74: {  	_ =	swait.ge [sflag:s13], $0x3C00;
	s15 =	sor.u32 s22, s15  }
0x75: {  	[sflag:s13] =	ssyncset.done $0x0;
	s15 =	sshrl.u32 s15, $0x3  }
0x76: {  	s18 =	sadd.s32 s7, s18;
	[sflag:s13] =	ssyncadd.s32 $0xFFFFC400;
	s15 =	sadd.s32 s1, s15  }
0x77: {  	[tilespmem:s4], [sflag:$0x7] =	stream.linear.gather [hbm4b:s15+s4], $0x80, $0x38;
	[tilespmem:$0x1F800] =	vst v63  }
0x78: {  	s15 =	sor.u32 s22, s18  }
0x79: {  	s15 =	sshrl.u32 s15, $0x3  }
0x7a: {  	s22 =	simm.s32 $0xA;
	s15 =	sadd.s32 s6, s15  }
0x7b: {  	[tilespmem:s23], [sflag:$0xD] =	stream.linear.gather [hbm4b:s15+s4], $0x80, $0x38;
	[tilespmem:$0x1F800] =	vst v63  }
0x7c: {  	_ =	swait.ge [sflag:s22], $0x80  }
0x7d: {  	[sflag:s22] =	ssyncset.done $0x0  }
0x7e: {  	s23 =	simm.s32 $0x180;
	[sflag:s22] =	ssyncadd.s32 $0xFFFFFF80  }
0x7f: {  	[tilespmem:s17], [sflag:$0x1] =	stream.indirect.gather [hbm4b:s5+s16], $0x80, s23, s16, $0xb8;
	[tilespmem:$0x1F800] =	vst v63  }
0x80: {  	_ =	swait.ge [sflag:s25], $0x3C00  }
0x81: {  	[sflag:s25] =	ssyncset.done $0x0  }
0x82: {  	[sflag:s25] =	ssyncadd.s32 $0xFFFFC400  }
0x83: {  	_ =	swait.ge [sflag:s29], $0x80  }
0x84: {  	[sflag:s29] =	ssyncset.done $0x0  }
0x85: {  	p0 =	seq.s32 s21, $0x2C80;
	s15 =	simm.s32 $0x500;
	[sflag:s29] =	ssyncadd.s32 $0xFFFFFF80  }
0x86: {  	[spmem:s2] =	stream.indirect.scatter.add.f32 [tilespmem:s24], [sflag:$0x6], $0x80, s15, s16, $0xb8;
	[tilespmem:$0x1F800] =	vst v63  }
0x87: {  	s15 =	sadd.s32 @!p0 $0xFFFFFE00, s21  }
0x88: {  	s18 =	sand.u32 @!p0 $0x7C00, s15  }
0x89: {  	s15 =	sand.u32 @!p0 $0x380, s15;
	s22 =	sadd.s32 @!p0 s9, s18  }
0x8a: {  	_ =	swait.ge [sflag:s30], $0x3C00;
	s22 =	sor.u32 @!p0 s15, s22  }
0x8b: {  	s11 =	simm.s32 @!p0 $0x80;
	[sflag:s30] =	ssyncset.done $0x0;
	s22 =	sshrl.u32 @!p0 s22, $0x3  }
0x8c: {  	[sflag:s30] =	ssyncadd.s32 $0xFFFFC400;
	s23 =	sadd.s32 @!p0 s1, s22;
	s22 =	simm.s32 @!p0 $0x0  }
0x8d: {  	[tilespmem:s11], [sflag:$0x8] =	stream.linear.gather @!p0 [hbm4b:s23+s22], $0x80, $0x38;
	[tilespmem:$0x1F800] =	vst v63  }
0x8e: {  	s11 =	sadd.s32 @!p0 s7, s18  }
0x8f: {  	s11 =	sor.u32 @!p0 s15, s11  }
0x90: {  	s11 =	sshrl.u32 @!p0 s11, $0x3  }
0x91: {  	s15 =	simm.s32 @!p0 $0x480;
	s11 =	sadd.s32 @!p0 s6, s11  }
0x92: {  	[tilespmem:s15], [sflag:$0xE] =	stream.linear.gather @!p0 [hbm4b:s11+s22], $0x80, $0x38;
	[tilespmem:$0x1F800] =	vst v63  }
0x93: {  	_ =	swait.ge [sflag:s31], $0x80  }
0x94: {  	[sflag:s31] =	ssyncset.done $0x0  }
0x95: {  	s18 =	simm.s32 $0x200;
	[sflag:s31] =	ssyncadd.s32 $0xFFFFFF80  }
0x96: {  	[tilespmem:s10], [sflag:$0x2] =	stream.indirect.gather [hbm4b:s5+s16], $0x80, s18, s16, $0xb8;
	[tilespmem:$0x1F800] =	vst v63  }
0x97: {  	_ =	swait.ge [sflag:s19], $0x3C00  }
0x98: {  	[sflag:s19] =	ssyncset.done $0x0  }
0x99: {  	s11 =	sadd.s32 $0xFFFFFA80, s21;
	[sflag:s19] =	ssyncadd.s32 $0xFFFFC400  }
0x9a: {  	s23 =	simm.s32 $0x580;
	s15 =	sand.u32 @!p0 $0x3C00, s11;
	_ =	swait.ge [sflag:s0], $0x80  }
0x9b: {  	s11 =	sand.u32 @!p0 $0x300, s11;
	s15 =	sadd.s32 @!p0 $0x400, s15;
	[sflag:s0] =	ssyncset.done $0x0  }
0x9c: {  	s18 =	sadd.s32 @!p0 s9, s15;
	s15 =	sadd.s32 @!p0 s7, s15;
	[sflag:s0] =	ssyncadd.s32 $0xFFFFFF80  }
0x9d: {  	[spmem:s2] =	stream.indirect.scatter.add.f32 [tilespmem:s17], [sflag:$0x4], $0x80, s23, s16, $0xb8;
	[tilespmem:$0x1F800] =	vst v63  }
0x9e: {  	s18 =	sor.u32 @!p0 s11, s18;
	s11 =	sor.u32 @!p0 s11, s15;
	_ =	swait.ge [sflag:s3], $0x3C00  }
0x9f: {  	s18 =	sshrl.u32 @!p0 s18, $0x3;
	s11 =	sshrl.u32 @!p0 s11, $0x3;
	[sflag:s3] =	ssyncset.done $0x0  }
0xa0: {  	s18 =	sadd.s32 @!p0 s1, s18;
	s23 =	simm.s32 @!p0 $0x100;
	[sflag:s3] =	ssyncadd.s32 $0xFFFFC400  }
0xa1: {  	[tilespmem:s23], [sflag:$0x9] =	stream.linear.gather @!p0 [hbm4b:s18+s22], $0x80, $0x38;
	[tilespmem:$0x1F800] =	vst v63  }
0xa2: {  	s15 =	simm.s32 @!p0 $0x500;
	s11 =	sadd.s32 @!p0 s6, s11  }
0xa3: {  	[tilespmem:s15], [sflag:$0xF] =	stream.linear.gather @!p0 [hbm4b:s11+s22], $0x80, $0x38;
	[tilespmem:$0x1F800] =	vst v63  }
0xa4: {  	_ =	swait.ge [sflag:s8], $0x80  }
0xa5: {  	[sflag:s8] =	ssyncset.done $0x0  }
0xa6: {  	s15 =	simm.s32 $0x280;
	[sflag:s8] =	ssyncadd.s32 $0xFFFFFF80  }
0xa7: {  	[tilespmem:s24], [sflag:$0x3] =	stream.indirect.gather [hbm4b:s5+s16], $0x80, s15, s16, $0xb8;
	[tilespmem:$0x1F800] =	vst v63  }
0xa8: {  	_ =	swait.ge [sflag:s26], $0x3C00  }
0xa9: {  	[sflag:s26] =	ssyncset.done $0x0  }
0xaa: {  	[sflag:s26] =	ssyncadd.s32 $0xFFFFC400  }
0xab: {  	_ =	swait.ge [sflag:s12], $0x80  }
0xac: {  	s11 =	sadd.s32 @!p0 $0xFFFFFF00, s21;
	[sflag:s12] =	ssyncset.done $0x0  }
0xad: {  	s18 =	simm.s32 $0x600;
	s15 =	sand.u32 @!p0 $0x7C00, s11;
	[sflag:s12] =	ssyncadd.s32 $0xFFFFFF80  }
0xae: {  	[spmem:s2] =	stream.indirect.scatter.add.f32 [tilespmem:s10], [sflag:$0x5], $0x80, s18, s16, $0xb8;
	[tilespmem:$0x1F800] =	vst v63  }
0xaf: {  	s23 =	simm.s32 @!p0 $0x180;
	s11 =	sand.u32 @!p0 $0x380, s11;
	s18 =	sadd.s32 @!p0 s9, s15  }
0xb0: {  	s15 =	sadd.s32 @!p0 s7, s15;
	_ =	swait.ge [sflag:s13], $0x3C00;
	s18 =	sor.u32 @!p0 s11, s18  }
0xb1: {  	s11 =	sor.u32 @!p0 s11, s15;
	[sflag:s13] =	ssyncset.done $0x0;
	s18 =	sshrl.u32 @!p0 s18, $0x3  }
0xb2: {  	s11 =	sshrl.u32 @!p0 s11, $0x3;
	[sflag:s13] =	ssyncadd.s32 $0xFFFFC400;
	s18 =	sadd.s32 @!p0 s1, s18  }
0xb3: {  	[tilespmem:s23], [sflag:$0xA] =	stream.linear.gather @!p0 [hbm4b:s18+s22], $0x80, $0x38;
	[tilespmem:$0x1F800] =	vst v63  }
0xb4: {  	s15 =	simm.s32 @!p0 $0x580;
	s11 =	sadd.s32 @!p0 s6, s11;
	s23 =	simm.s32 $0x7  }
0xb5: {  	[tilespmem:s15], [sflag:$0x10] =	stream.linear.gather @!p0 [hbm4b:s11+s22], $0x80, $0x38;
	[tilespmem:$0x1F800] =	vst v63  }
0xb6: {  	_ =	swait.ge [sflag:s23], $0x80  }
0xb7: {  	[sflag:s23] =	ssyncset.done $0x0  }
0xb8: {  	[sflag:s23] =	ssyncadd.s32 $0xFFFFFF80  }
0xb9: {  	[tilespmem:s17], [sflag:$0x1] =	stream.indirect.gather [hbm4b:s5+s16], $0x80, s4, s16, $0xb8;
	[tilespmem:$0x1F800] =	vst v63  }
0xba: {  	_ =	swait.ge [sflag:s25], $0x3C00  }
0xbb: {  	[sflag:s25] =	ssyncset.done $0x0  }
0xbc: {  	[sflag:s25] =	ssyncadd.s32 $0xFFFFC400  }
0xbd: {  	_ =	swait.ge [sflag:s28], $0x80  }
0xbe: {  	[sflag:s28] =	ssyncset.done $0x0  }
.Ltmp2:
0xbf: {  	[sflag:s28] =	ssyncadd.s32 $0xFFFFFF80;
	(pc) =	sbr.rel @p0 .LBB2_4-.Ltmp2, $4  }
0xc0: {  	[spmem:s2] =	stream.indirect.scatter.add.f32 [tilespmem:s24], [sflag:$0x6], $0x80, s14, s16, $0xb8;
	[tilespmem:$0x1F800] =	vst v63  }
0xc1: {  	_ =	swait.ge [sflag:s30], $0x3C00  }
0xc2: {  	[sflag:s30] =	ssyncset.done $0x0  }
0xc3: {  	s14 =	simm.s32 $0x680;
	[sflag:s30] =	ssyncadd.s32 $0xFFFFC400  }
0xc4: {  	s11 =	sadd.s32 $0xFFFFFF80, s21  }
0xc5: {  	s15 =	sand.u32 $0x7C00, s11  }
0xc6: {  	s11 =	sand.u32 $0x300, s11;
	s18 =	sadd.s32 s9, s15  }
0xc7: {  	s15 =	sadd.s32 s7, s15;
	s18 =	sor.u32 s11, s18  }
0xc8: {  	s11 =	sor.u32 s11, s15;
	s18 =	sshrl.u32 s18, $0x3  }
0xc9: {  	s22 =	simm.s32 $0x200;
	s11 =	sshrl.u32 s11, $0x3;
	s18 =	sadd.s32 s1, s18  }
0xca: {  	[tilespmem:s22], [sflag:$0xB] =	stream.linear.gather [hbm4b:s18+s4], $0x80, $0x38;
	[tilespmem:$0x1F800] =	vst v63  }
0xcb: {  	s23 =	simm.s32 $0x600;
	s15 =	simm.s32 $0x8;
	s11 =	sadd.s32 s6, s11  }
0xcc: {  	[tilespmem:s23], [sflag:$0x11] =	stream.linear.gather [hbm4b:s11+s4], $0x80, $0x38;
	[tilespmem:$0x1F800] =	vst v63  }
0xcd: {  	_ =	swait.ge [sflag:s15], $0x80  }
0xce: {  	[sflag:s15] =	ssyncset.done $0x0  }
0xcf: {  	s18 =	simm.s32 $0x80;
	[sflag:s15] =	ssyncadd.s32 $0xFFFFFF80  }
0xd0: {  	[tilespmem:s10], [sflag:$0x2] =	stream.indirect.gather [hbm4b:s5+s16], $0x80, s18, s16, $0xb8;
	[tilespmem:$0x1F800] =	vst v63  }
0xd1: {  	_ =	swait.ge [sflag:s19], $0x3C00  }
0xd2: {  	[sflag:s19] =	ssyncset.done $0x0  }
0xd3: {  	[sflag:s19] =	ssyncadd.s32 $0xFFFFC400  }
0xd4: {  	s11 =	sand.u32 $0x7C00, s21;
	_ =	swait.ge [sflag:s20], $0x80  }
0xd5: {  	s23 =	simm.s32 $0x400;
	s22 =	sadd.s32 s9, s11;
	[sflag:s20] =	ssyncset.done $0x0  }
0xd6: {  	s11 =	sadd.s32 s7, s11;
	s18 =	sand.u32 $0x380, s21;
	[sflag:s20] =	ssyncadd.s32 $0xFFFFFF80  }
0xd7: {  	[spmem:s2] =	stream.indirect.scatter.add.f32 [tilespmem:s17], [sflag:$0x4], $0x80, s23, s16, $0xb8;
	[tilespmem:$0x1F800] =	vst v63  }
0xd8: {  	s15 =	sor.u32 s18, s22;
	s22 =	simm.s32 $0x280;
	_ =	swait.ge [sflag:s3], $0x3C00  }
0xd9: {  	s11 =	sor.u32 s18, s11;
	s15 =	sshrl.u32 s15, $0x3;
	[sflag:s3] =	ssyncset.done $0x0  }
0xda: {  	s11 =	sshrl.u32 s11, $0x3;
	s15 =	sadd.s32 s1, s15;
	[sflag:s3] =	ssyncadd.s32 $0xFFFFC400  }
0xdb: {  	[tilespmem:s22], [sflag:$0xC] =	stream.linear.gather [hbm4b:s15+s4], $0x80, $0x38;
	[tilespmem:$0x1F800] =	vst v63  }
0xdc: {  	s11 =	sadd.s32 s6, s11  }
0xdd: {  	[tilespmem:s14], [sflag:$0x12] =	stream.linear.gather [hbm4b:s11+s4], $0x80, $0x38;
	[tilespmem:$0x1F800] =	vst v63  }
.Ltmp3:
0xde: {  	s18 =	simm.s32 $0x9;
	(pc) =	sbr.rel .LBB2_2-.Ltmp3, $4  }
0xdf: {  	_ =	swait.ge [sflag:s18], $0x80  }
0xe0: {  	s21 =	sadd.s32 $0x300, s21;
	[sflag:s18] =	ssyncset.done $0x0  }
0xe1: {  	s22 =	simm.s32 $0x100;
	s14 =	simm.s32 $0x680;
	[sflag:s18] =	ssyncadd.s32 $0xFFFFFF80  }
0xe2: {  	[tilespmem:s24], [sflag:$0x3] =	stream.indirect.gather [hbm4b:s5+s16], $0x80, s22, s16, $0xb8;
	[tilespmem:$0x1F800] =	vst v63  }
.LBB2_5:
0xe3: {  	_ =	sfence.sel $0x180000  }
0xe4: {  	[bflag:$0x0] =	sbarrier.arrive $0xFFFF  }
0xe5: {  	_ =	strace $0x90000047  }
0xe6: {  	s0 =	stileid.u32;
	[bflag:$0x2] =	sbarrier.arrive $0xFFFF  }
0xe7: {  	p0 =	sne.s32 s0, $0x0;
	s0 =	rddreg [dreg:$0x3]  }
0xe8: {  	s0 =	sadd.s32 @!p0 $0x100000, s0  }
0xe9: {  	[sflag:s0] =	ssyncadd.tile.s32 @!p0 $0x1;
	_ =	shalt  }
.Lfunc_end2:
_tile_overlayer_lowered:
.L_overlay_start_2:
0xea: {  	(tag) =	ssettag $0x2  }
0xeb: {  	s0 =	rddreg [dreg:$0x0];
	s2 =	stileid.u32  }
0xec: {  	s1 =	rddreg [dreg:$0x1];
	p0 =	sne.s32 s2, $0x0  }
0xed: {  	s3 =	rddreg [dreg:$0x2];
	[bflag:$0x3] =	sbarrier.arrive $0xFFFF;
	s2 =	simm.s32 @!p0 $0x1C14  }
0xee: {  	[timem:s3], [sflag:s2] =	dma.local @!p0 [hbm:s0], s1  }
0xef: {  	s0 =	simm.s32 @!p0 $0x14  }
0xf0: {  	_ =	swait.ge @!p0 [sflag:s0], s1  }
0xf1: {  	s1 =	ssub.s32 @!p0 $0x0, s1;
	[sflag:s0] =	ssyncset.done @!p0 $0x0  }
0xf2: {  	[sflag:s0] =	ssyncadd.s32 @!p0 s1  }
0xf3: {  	[bflag:$0x3] =	sbarrier.arrive $0xFFFF  }
0xf4: {  	_ =	shalt  }

</sc_bundles>
